<compile_context>
chip_gen: v7x
topology: tpu7x:2x2x1
jax: 0.10.2.dev20260603
libtpu: 0.0.44.dev20260713+nightly
codegen_flags: <defaults>
</compile_context>

<pallas_src>
import jax
import jax.numpy as jnp
from jax import lax
from jax.experimental import pallas as pl
from jax.experimental.pallas import tpu as pltpu
from jax.experimental.pallas import tpu_sc as plsc

B, N, P, Q, L = 2, 10000, 16, 16, 8
QL = Q * L
NC, NS = 2, 16
ROWS0 = 5120
ROWS1 = N - ROWS0
CH = 128
NCH0, NCH1 = ROWS0 // CH, ROWS1 // CH
G0, G1 = ROWS0 // 8, ROWS1 // 8
ACC_B = 704
ACC_ROWS = B * ACC_B
DUMP = ACC_ROWS - 1
ZSH = ACC_ROWS // NS
XPAD = 10240
OUTG = 1280
CP0 = G0 // (NS // B)
CP1 = 72
CP1L = 112


def _sc_body(xp_hbm, idx_hbm, wt_hbm, bias_hbm, out_hbm,
             xp_v, idxa_v, idxb_v, w_v, bias_v,
             p0a_v, p1a_v, p0b_v, p1b_v, zbuf_v, acc_s,
             sema, semb, semsa, semsb):
    c = lax.axis_index("c")
    s = lax.axis_index("s")
    p = s
    base_n = c * ROWS0
    nch = jnp.where(c == 0, NCH0, NCH1)
    npairs = nch // 2
    lanes = lax.iota(jnp.int32, 16)

    pltpu.sync_copy(xp_hbm.at[pl.ds(p * XPAD, XPAD)], xp_v)
    pltpu.sync_copy(wt_hbm.at[pl.ds(p, 1)], w_v)
    pltpu.sync_copy(bias_hbm, bias_v)

    @pl.loop(0, ZSH)
    def _zero(i):
        for t in range(8):
            zbuf_v[i, pl.ds(t * 16, 16)] = jnp.zeros((16,), jnp.float32)

    pltpu.sync_copy(zbuf_v, acc_s.at[pl.ds(s * ZSH, ZSH)])
    plsc.subcore_barrier()

    wvec = [w_v[0, 0, pl.ds(l * Q, Q)] for l in range(L)]
    pat = [lanes * L + l for l in range(L)]
    biasvec = bias_v[:]
    zf = jnp.zeros((16,), jnp.float32)
    init = jnp.where(jnp.broadcast_to(s == 0, (16,)), biasvec, zf)

    def start_idx_dma(chunk, buf, sem):
        pltpu.async_copy(
            idx_hbm.at[pl.ds(base_n + chunk * CH, CH), pl.ds(p * QL, QL)],
            buf, sem)

    def wait_idx(buf, sem):
        pltpu.make_async_copy(
            idx_hbm.at[pl.ds(0, CH), pl.ds(0, QL)], buf, sem).wait()

    def tree(m):
        return ((m[0] + m[1]) + (m[2] + m[3])) + \
               ((m[4] + m[5]) + (m[6] + m[7])) + init

    def compute_rows(buf, count, pout0, pout1):
        @pl.loop(0, count)
        def _node(i):
            nsp = jnp.broadcast_to(i, (16,)).astype(jnp.int32)
            xs = []
            for l in range(L):
                iv = plsc.load_gather(buf, [nsp, pat[l]])
                xs.append(plsc.load_gather(xp_v, [iv]))
            m0 = [wvec[l] * plsc.bitcast(xs[l], jnp.float32) for l in range(L)]
            m1 = [wvec[l] * plsc.bitcast(xs[l] << 16, jnp.float32)
                  for l in range(L)]
            r = i >> 3
            col = (i & 7) * 16
            pout0[r, pl.ds(col, 16)] = tree(m0)
            pout1[r, pl.ds(col, 16)] = tree(m1)

    def rowvec(chunk, b):
        base = jnp.broadcast_to(b * ACC_B + chunk * (CH // 8), (16,))
        return base.astype(jnp.int32) + lanes

    def drain_scatter(pv0, pv1, sem):
        pltpu.make_async_copy(pv0, acc_s.at[lanes], sem).wait()
        pltpu.make_async_copy(pv1, acc_s.at[lanes], sem).wait()

    start_idx_dma(0, idxa_v, sema)

    @pl.loop(0, npairs)
    def _pair(t):
        g = t * 2
        start_idx_dma(g + 1, idxb_v, semb)
        wait_idx(idxa_v, sema)

        @pl.when(t > 0)
        def _da():
            drain_scatter(p0a_v, p1a_v, semsa)

        compute_rows(idxa_v, CH, p0a_v, p1a_v)
        pltpu.async_copy(p0a_v, acc_s.at[rowvec(g, 0)], semsa, add=True)
        pltpu.async_copy(p1a_v, acc_s.at[rowvec(g, 1)], semsa, add=True)

        @pl.when(g + 2 < nch)
        def _pf():
            start_idx_dma(g + 2, idxa_v, sema)

        wait_idx(idxb_v, semb)

        @pl.when(t > 0)
        def _db():
            drain_scatter(p0b_v, p1b_v, semsb)

        compute_rows(idxb_v, CH, p0b_v, p1b_v)
        pltpu.async_copy(p0b_v, acc_s.at[rowvec(g + 1, 0)], semsb, add=True)
        pltpu.async_copy(p1b_v, acc_s.at[rowvec(g + 1, 1)], semsb, add=True)

    drain_scatter(p0a_v, p1a_v, semsa)
    drain_scatter(p0b_v, p1b_v, semsb)

    @pl.when(c == 1)
    def _tail():
        n0_local = NCH1 * CH
        pltpu.sync_copy(
            idx_hbm.at[pl.ds(base_n + n0_local, 16), pl.ds(p * QL, QL)],
            idxa_v.at[pl.ds(0, 16)])
        compute_rows(idxa_v, 16, p0a_v, p1a_v)
        g_tail = n0_local // 8
        for b, pv in ((0, p0a_v), (1, p1a_v)):
            rv = jnp.where(lanes < 2,
                           jnp.broadcast_to(b * ACC_B + g_tail, (16,))
                           .astype(jnp.int32) + lanes,
                           jnp.broadcast_to(DUMP, (16,)).astype(jnp.int32))
            pltpu.sync_copy(pv, acc_s.at[rv], add=True)

    plsc.subcore_barrier()

    b_out = s // (NS // B)
    j = s % (NS // B)

    @pl.when(c == 0)
    def _cp0():
        pltpu.sync_copy(acc_s.at[pl.ds(b_out * ACC_B + j * CP0, CP0)],
                        out_hbm.at[pl.ds(b_out * OUTG + j * CP0, CP0)])

    @pl.when(jnp.logical_and(c == 1, j < NS // B - 1))
    def _cp1():
        pltpu.sync_copy(acc_s.at[pl.ds(b_out * ACC_B + j * CP1, CP1)],
                        out_hbm.at[pl.ds(b_out * OUTG + G0 + j * CP1, CP1)])

    @pl.when(jnp.logical_and(c == 1, j == NS // B - 1))
    def _cp1l():
        pltpu.sync_copy(acc_s.at[pl.ds(b_out * ACC_B + 7 * CP1, CP1L)],
                        out_hbm.at[pl.ds(b_out * OUTG + G0 + 7 * CP1, CP1L)])


@jax.jit
def _lrf_sc(xp, idx2, wt, bias):
    mesh = plsc.VectorSubcoreMesh(core_axis_name="c", subcore_axis_name="s")
    run = pl.kernel(
        _sc_body,
        out_type=jax.ShapeDtypeStruct((B * OUTG, 128), jnp.float32),
        mesh=mesh,
        compiler_params=pltpu.CompilerParams(
            needs_layout_passes=False, use_tc_tiling_on_sc=True),
        scratch_types=[
            pltpu.VMEM((XPAD,), jnp.int32),
            pltpu.VMEM((CH, QL), jnp.int32),
            pltpu.VMEM((CH, QL), jnp.int32),
            pltpu.VMEM((1, 1, L * Q), jnp.float32),
            pltpu.VMEM((Q,), jnp.float32),
            pltpu.VMEM((CH // 8, 128), jnp.float32),
            pltpu.VMEM((CH // 8, 128), jnp.float32),
            pltpu.VMEM((CH // 8, 128), jnp.float32),
            pltpu.VMEM((CH // 8, 128), jnp.float32),
            pltpu.VMEM((ZSH, 128), jnp.float32),
            pltpu.VMEM_SHARED((ACC_ROWS, 128), jnp.float32),
            pltpu.SemaphoreType.DMA,
            pltpu.SemaphoreType.DMA,
            pltpu.SemaphoreType.DMA,
            pltpu.SemaphoreType.DMA,
        ],
    )
    return run(xp, idx2, wt, bias)


def kernel(x, idx_node, kernel, bias):
    u = lax.bitcast_convert_type(x.astype(jnp.bfloat16), jnp.uint16)
    xp = (u[0].astype(jnp.uint32) << 16) | u[1].astype(jnp.uint32)
    xp = jnp.transpose(xp, (1, 0))
    xp = jnp.pad(xp, ((0, 0), (0, XPAD - N)))
    xp = lax.bitcast_convert_type(xp, jnp.int32).reshape(P * XPAD)
    idx2 = idx_node.reshape(N, P * QL)
    wt = jnp.transpose(kernel, (1, 0, 2)).reshape(P, 1, L * Q)
    out = _lrf_sc(xp, idx2, wt, bias)
    return out.reshape(B, OUTG, 128)[:, :N // 8, :].reshape(B, N, Q)

# --- scband reference (transcript-rebuilt; emitter-appended) ---
"""Pipeline reference for scband-monte-carlo-lrf-15247133900969 (READ-ONLY COPY).

The authoritative reference and input builder live on the scoring server;
editing this copy changes nothing except your own understanding.
"""

import jax, jax.numpy as jnp
import numpy as np

B, N, P, Q, LRF = 2, 10000, 16, 16, 8


def setup_inputs(seed: int = 0) -> dict:
    key = jax.random.key(seed)
    k1, k2, k3 = jax.random.split(key, 3)
    x = jax.random.normal(k1, (B, N, P), dtype=jnp.float32)
    # Monte Carlo LRF construction: slot 0 is the node itself; slots 1..LRF-1 are
    # neighbors sampled uniformly over nodes != i (uniform off-diagonal probabilities).
    r = jax.random.randint(k2, (N, P, Q, LRF - 1), 0, N - 1, dtype=jnp.int32)
    i = jnp.arange(N, dtype=jnp.int32)[:, None, None, None]
    r = r + (r >= i).astype(jnp.int32)  # skip self -> values in [0,N) excluding i
    idx_node = jnp.concatenate([jnp.broadcast_to(i, (N, P, Q, 1)), r], axis=-1)  # (N,P,Q,LRF)
    # he_uniform kernel init: limit = sqrt(6/fan_in)
    limit = float(np.sqrt(6.0 / (LRF * P)))
    kernel = jax.random.uniform(k3, (LRF, P, Q), dtype=jnp.float32, minval=-limit, maxval=limit)
    bias = jnp.zeros((Q,), dtype=jnp.float32)
    return {"x": x, "idx_node": idx_node, "kernel": kernel, "bias": bias}


def reference(x, idx_node, kernel, bias):
    # x: (B,N,P); original transposes to (N,P,B) then gathers (node, channel) pairs.
    x_t = jnp.transpose(x, (1, 2, 0))  # (N, P, B)
    chan = jnp.broadcast_to(jnp.arange(P, dtype=jnp.int32)[None, :, None, None], idx_node.shape)
    col = x_t[idx_node, chan]  # (N, P, Q, LRF, B)  == tf.gather_nd with LRF_getter
    col = jnp.transpose(col, (4, 0, 3, 1, 2))  # (B, N, LRF, P, Q)
    y = jnp.sum(col * kernel[None, None, :, :, :], axis=(2, 3))  # (B, N, Q)
    y = y + bias[None, None, :]
    # activation=None -> linear
    return y

if __name__ == "__main__":
    import jax
    _d = setup_inputs()
    print(jax.jit(kernel)(*tuple(_d.values())))

</pallas_src>

<mosaic_0001>
#map = affine_map<(d0, d1) -> (0)>
#map1 = affine_map<(d0, d1) -> (0, 0)>
#map2 = affine_map<(d0, d1) -> (0, 0, 0)>
module attributes {stable_mosaic.version = 14 : i64} {
  func.func @_sc_body(%arg0: i32, %arg1: i32, %arg2: memref<163840xi32, #tpu.memory_space<hbm>>, %arg3: memref<10000x2048xi32, #tpu.memory_space<hbm>>, %arg4: memref<16x1x128xf32, #tpu.memory_space<hbm>>, %arg5: memref<16xf32, #tpu.memory_space<hbm>>, %arg6: memref<2560x128xf32, #tpu.memory_space<hbm>>, %arg7: memref<10240xi32, #tpu.memory_space<vmem>>, %arg8: memref<128x128xi32, #tpu.memory_space<vmem>>, %arg9: memref<128x128xi32, #tpu.memory_space<vmem>>, %arg10: memref<1x1x128xf32, #tpu.memory_space<vmem>>, %arg11: memref<16xf32, #tpu.memory_space<vmem>>, %arg12: memref<16x128xf32, #tpu.memory_space<vmem>>, %arg13: memref<16x128xf32, #tpu.memory_space<vmem>>, %arg14: memref<16x128xf32, #tpu.memory_space<vmem>>, %arg15: memref<16x128xf32, #tpu.memory_space<vmem>>, %arg16: memref<88x128xf32, #tpu.memory_space<vmem>>, %arg17: memref<1408x128xf32, #tpu.memory_space<vmem_shared>>, %arg18: memref<!tpu.dma_semaphore, #tpu.memory_space<semaphore_mem>>, %arg19: memref<!tpu.dma_semaphore, #tpu.memory_space<semaphore_mem>>, %arg20: memref<!tpu.dma_semaphore, #tpu.memory_space<semaphore_mem>>, %arg21: memref<!tpu.dma_semaphore, #tpu.memory_space<semaphore_mem>>) attributes {dimension_semantics = [#tpu.dimension_semantics<core_parallel>, #tpu.dimension_semantics<subcore_parallel>], iteration_bounds = array<i64: 2, 16>, scalar_prefetch = 0 : i64, scratch_operands = 15 : i64, tpu.core_type = #tpu.core_type<sc_vector_subcore>, window_params = [{transform_indices = #map}, {transform_indices = #map1}, {transform_indices = #map2}, {transform_indices = #map}, {transform_indices = #map1}]} {
    %mul3A = arith.constant 5120 : i32
    %mul3A_0 = arith.muli %arg0, %mul3A : i32
    %eq3A = arith.constant 0 : i32
    %eq3A_1 = arith.cmpi eq, %arg0, %eq3A : i32
    %jit3A = arith.constant 40 : i32
    %jit3A_2 = arith.constant 38 : i32
    %select_n3A = arith.select %eq3A_1, %jit3A, %jit3A_2 : i32
    %jit3A_3 = arith.constant 2 : i32
    %div3A = arith.divsi %select_n3A, %jit3A_3 : i32
    %sign3A = arith.constant 0 : i32
    %sign3A_4 = arith.cmpi sgt, %select_n3A, %sign3A : i32
    %sign3A_5 = arith.extui %sign3A_4 : i1 to i32
    %sign3A_6 = arith.constant 0 : i32
    %sign3A_7 = arith.cmpi slt, %select_n3A, %sign3A_6 : i32
    %sign3A_8 = arith.extui %sign3A_7 : i1 to i32
    %sign3A_9 = arith.subi %sign3A_5, %sign3A_8 : i32
    %sign3A_10 = arith.constant 0 : i32
    %sign3A_11 = arith.cmpi sgt, %jit3A_3, %sign3A_10 : i32
    %sign3A_12 = arith.extui %sign3A_11 : i1 to i32
    %sign3A_13 = arith.constant 0 : i32
    %sign3A_14 = arith.cmpi slt, %jit3A_3, %sign3A_13 : i32
    %sign3A_15 = arith.extui %sign3A_14 : i1 to i32
    %sign3A_16 = arith.subi %sign3A_12, %sign3A_15 : i32
    %ne3A = arith.cmpi ne, %sign3A_9, %sign3A_16 : i32
    %rem3A = arith.remsi %select_n3A, %jit3A_3 : i32
    %ne3A_17 = arith.constant 0 : i32
    %ne3A_18 = arith.cmpi ne, %rem3A, %ne3A_17 : i32
    %and3A = arith.andi %ne3A, %ne3A_18 : i1
    %sub3A = arith.constant 1 : i32
    %sub3A_19 = arith.subi %div3A, %sub3A : i32
    %select_n3A_20 = arith.select %and3A, %sub3A_19, %div3A : i32
    %iota3A = tpu.iota {dimensions = array<i32: 0>} : vector<16xi32>
    %mul3A_21 = arith.constant 10240 : i32
    %mul3A_22 = arith.muli %arg1, %mul3A_21 : i32
    "tpu.region"() ({
      %run_scoped3A = tpu.sem_alloc : memref<!tpu.dma_semaphore, #tpu.memory_space<semaphore_mem>>
      %dma_start3A_228 = tpu.memref_slice %arg2[%mul3A_22] : memref<163840xi32, #tpu.memory_space<hbm>> -> memref<10240xi32, #tpu.memory_space<hbm>>
      %dma_start3A_229 = tpu.memref_slice %arg2[%mul3A_22] : memref<163840xi32, #tpu.memory_space<hbm>> -> memref<10240xi32, #tpu.memory_space<hbm>>
      tpu.enqueue_dma source(%dma_start3A_229 : memref<10240xi32, #tpu.memory_space<hbm>>) target(%arg7 : memref<10240xi32, #tpu.memory_space<vmem>>) target_semaphore(%run_scoped3A : memref<!tpu.dma_semaphore, #tpu.memory_space<semaphore_mem>>)
      %dma_wait3A_230 = tpu.memref_slice %arg2[%mul3A_22] : memref<163840xi32, #tpu.memory_space<hbm>> -> memref<10240xi32, #tpu.memory_space<hbm>>
      %dma_wait3A_231 = tpu.memref_slice %arg2[%mul3A_22] : memref<163840xi32, #tpu.memory_space<hbm>> -> memref<10240xi32, #tpu.memory_space<hbm>>
      tpu.wait_dma2 semaphore(%run_scoped3A : memref<!tpu.dma_semaphore, #tpu.memory_space<semaphore_mem>>) src(%dma_wait3A_231 : memref<10240xi32, #tpu.memory_space<hbm>>) dst(%arg7 : memref<10240xi32, #tpu.memory_space<vmem>>)
      tpu.yield
    }) : () -> ()
    "tpu.region"() ({
      %run_scoped3A = tpu.sem_alloc : memref<!tpu.dma_semaphore, #tpu.memory_space<semaphore_mem>>
      %dma_start3A_228 = arith.constant 0 : i32
      %dma_start3A_229 = arith.constant 0 : i32
      %dma_start3A_230 = tpu.memref_slice %arg4[%arg1, %dma_start3A_228, %dma_start3A_229] : memref<16x1x128xf32, #tpu.memory_space<hbm>> -> memref<1x1x128xf32, #tpu.memory_space<hbm>>
      %dma_start3A_231 = arith.constant 0 : i32
      %dma_start3A_232 = arith.constant 0 : i32
      %dma_start3A_233 = tpu.memref_slice %arg4[%arg1, %dma_start3A_231, %dma_start3A_232] : memref<16x1x128xf32, #tpu.memory_space<hbm>> -> memref<1x1x128xf32, #tpu.memory_space<hbm>>
      tpu.enqueue_dma source(%dma_start3A_233 : memref<1x1x128xf32, #tpu.memory_space<hbm>>) target(%arg10 : memref<1x1x128xf32, #tpu.memory_space<vmem>>) target_semaphore(%run_scoped3A : memref<!tpu.dma_semaphore, #tpu.memory_space<semaphore_mem>>)
      %dma_wait3A_234 = arith.constant 0 : i32
      %dma_wait3A_235 = arith.constant 0 : i32
      %dma_wait3A_236 = tpu.memref_slice %arg4[%arg1, %dma_wait3A_234, %dma_wait3A_235] : memref<16x1x128xf32, #tpu.memory_space<hbm>> -> memref<1x1x128xf32, #tpu.memory_space<hbm>>
      %dma_wait3A_237 = arith.constant 0 : i32
      %dma_wait3A_238 = arith.constant 0 : i32
      %dma_wait3A_239 = tpu.memref_slice %arg4[%arg1, %dma_wait3A_237, %dma_wait3A_238] : memref<16x1x128xf32, #tpu.memory_space<hbm>> -> memref<1x1x128xf32, #tpu.memory_space<hbm>>
      tpu.wait_dma2 semaphore(%run_scoped3A : memref<!tpu.dma_semaphore, #tpu.memory_space<semaphore_mem>>) src(%dma_wait3A_239 : memref<1x1x128xf32, #tpu.memory_space<hbm>>) dst(%arg10 : memref<1x1x128xf32, #tpu.memory_space<vmem>>)
      tpu.yield
    }) : () -> ()
    "tpu.region"() ({
      %run_scoped3A = tpu.sem_alloc : memref<!tpu.dma_semaphore, #tpu.memory_space<semaphore_mem>>
      tpu.enqueue_dma source(%arg5 : memref<16xf32, #tpu.memory_space<hbm>>) target(%arg11 : memref<16xf32, #tpu.memory_space<vmem>>) target_semaphore(%run_scoped3A : memref<!tpu.dma_semaphore, #tpu.memory_space<semaphore_mem>>)
      tpu.wait_dma2 semaphore(%run_scoped3A : memref<!tpu.dma_semaphore, #tpu.memory_space<semaphore_mem>>) src(%arg5 : memref<16xf32, #tpu.memory_space<hbm>>) dst(%arg11 : memref<16xf32, #tpu.memory_space<vmem>>)
      tpu.yield
    }) : () -> ()
    %scan3A = arith.constant 0 : i32
    %scan3A_23 = arith.constant 88 : i32
    %scan3A_24 = arith.addi %scan3A, %scan3A_23 : i32
    %scan3A_25 = arith.constant 1 : i32
    scf.for %scan3A_228 = %scan3A to %scan3A_24 step %scan3A_25  : i32 {
      %mul3A_229 = arith.constant 1 : i32
      %mul3A_230 = arith.muli %scan3A_228, %mul3A_229 : i32
      %add3A_231 = arith.constant 0 : i32
      %add3A_232 = arith.addi %add3A_231, %mul3A_230 : i32
      %broadcast_in_dim3A_233 = arith.constant 0.000000e+00 : f32
      %broadcast_in_dim3A_234 = vector.broadcast %broadcast_in_dim3A_233 : f32 to vector<16xf32>
      %swap3A = arith.index_cast %add3A_232 : i32 to index
      %swap3A_235 = arith.constant 0 : index
      %swap3A_236 = tpu.vector_load %arg16[%swap3A, %swap3A_235] {strides = array<i32>} : memref<88x128xf32, #tpu.memory_space<vmem>>, vector<16xf32>,
      tpu.vector_store %arg16[%swap3A, %swap3A_235], %broadcast_in_dim3A_234 {strides = array<i32>} : memref<88x128xf32, #tpu.memory_space<vmem>>, vector<16xf32>,
      %broadcast_in_dim3A_237 = arith.constant 0.000000e+00 : f32
      %broadcast_in_dim3A_238 = vector.broadcast %broadcast_in_dim3A_237 : f32 to vector<16xf32>
      %swap3A_239 = arith.index_cast %add3A_232 : i32 to index
      %swap3A_240 = arith.constant 16 : index
      %swap3A_241 = tpu.vector_load %arg16[%swap3A_239, %swap3A_240] {strides = array<i32>} : memref<88x128xf32, #tpu.memory_space<vmem>>, vector<16xf32>,
      tpu.vector_store %arg16[%swap3A_239, %swap3A_240], %broadcast_in_dim3A_238 {strides = array<i32>} : memref<88x128xf32, #tpu.memory_space<vmem>>, vector<16xf32>,
      %broadcast_in_dim3A_242 = arith.constant 0.000000e+00 : f32
      %broadcast_in_dim3A_243 = vector.broadcast %broadcast_in_dim3A_242 : f32 to vector<16xf32>
      %swap3A_244 = arith.index_cast %add3A_232 : i32 to index
      %swap3A_245 = arith.constant 32 : index
      %swap3A_246 = tpu.vector_load %arg16[%swap3A_244, %swap3A_245] {strides = array<i32>} : memref<88x128xf32, #tpu.memory_space<vmem>>, vector<16xf32>,
      tpu.vector_store %arg16[%swap3A_244, %swap3A_245], %broadcast_in_dim3A_243 {strides = array<i32>} : memref<88x128xf32, #tpu.memory_space<vmem>>, vector<16xf32>,
      %broadcast_in_dim3A_247 = arith.constant 0.000000e+00 : f32
      %broadcast_in_dim3A_248 = vector.broadcast %broadcast_in_dim3A_247 : f32 to vector<16xf32>
      %swap3A_249 = arith.index_cast %add3A_232 : i32 to index
      %swap3A_250 = arith.constant 48 : index
      %swap3A_251 = tpu.vector_load %arg16[%swap3A_249, %swap3A_250] {strides = array<i32>} : memref<88x128xf32, #tpu.memory_space<vmem>>, vector<16xf32>,
      tpu.vector_store %arg16[%swap3A_249, %swap3A_250], %broadcast_in_dim3A_248 {strides = array<i32>} : memref<88x128xf32, #tpu.memory_space<vmem>>, vector<16xf32>,
      %broadcast_in_dim3A_252 = arith.constant 0.000000e+00 : f32
      %broadcast_in_dim3A_253 = vector.broadcast %broadcast_in_dim3A_252 : f32 to vector<16xf32>
      %swap3A_254 = arith.index_cast %add3A_232 : i32 to index
      %swap3A_255 = arith.constant 64 : index
      %swap3A_256 = tpu.vector_load %arg16[%swap3A_254, %swap3A_255] {strides = array<i32>} : memref<88x128xf32, #tpu.memory_space<vmem>>, vector<16xf32>,
      tpu.vector_store %arg16[%swap3A_254, %swap3A_255], %broadcast_in_dim3A_253 {strides = array<i32>} : memref<88x128xf32, #tpu.memory_space<vmem>>, vector<16xf32>,
      %broadcast_in_dim3A_257 = arith.constant 0.000000e+00 : f32
      %broadcast_in_dim3A_258 = vector.broadcast %broadcast_in_dim3A_257 : f32 to vector<16xf32>
      %swap3A_259 = arith.index_cast %add3A_232 : i32 to index
      %swap3A_260 = arith.constant 80 : index
      %swap3A_261 = tpu.vector_load %arg16[%swap3A_259, %swap3A_260] {strides = array<i32>} : memref<88x128xf32, #tpu.memory_space<vmem>>, vector<16xf32>,
      tpu.vector_store %arg16[%swap3A_259, %swap3A_260], %broadcast_in_dim3A_258 {strides = array<i32>} : memref<88x128xf32, #tpu.memory_space<vmem>>, vector<16xf32>,
      %broadcast_in_dim3A_262 = arith.constant 0.000000e+00 : f32
      %broadcast_in_dim3A_263 = vector.broadcast %broadcast_in_dim3A_262 : f32 to vector<16xf32>
      %swap3A_264 = arith.index_cast %add3A_232 : i32 to index
      %swap3A_265 = arith.constant 96 : index
      %swap3A_266 = tpu.vector_load %arg16[%swap3A_264, %swap3A_265] {strides = array<i32>} : memref<88x128xf32, #tpu.memory_space<vmem>>, vector<16xf32>,
      tpu.vector_store %arg16[%swap3A_264, %swap3A_265], %broadcast_in_dim3A_263 {strides = array<i32>} : memref<88x128xf32, #tpu.memory_space<vmem>>, vector<16xf32>,
      %broadcast_in_dim3A_267 = arith.constant 0.000000e+00 : f32
      %broadcast_in_dim3A_268 = vector.broadcast %broadcast_in_dim3A_267 : f32 to vector<16xf32>
      %swap3A_269 = arith.index_cast %add3A_232 : i32 to index
      %swap3A_270 = arith.constant 112 : index
      %swap3A_271 = tpu.vector_load %arg16[%swap3A_269, %swap3A_270] {strides = array<i32>} : memref<88x128xf32, #tpu.memory_space<vmem>>, vector<16xf32>,
      tpu.vector_store %arg16[%swap3A_269, %swap3A_270], %broadcast_in_dim3A_268 {strides = array<i32>} : memref<88x128xf32, #tpu.memory_space<vmem>>, vector<16xf32>,
    }
    %scan3A_26 = arith.constant 88 : i32
    %mul3A_27 = arith.constant 88 : i32
    %mul3A_28 = arith.muli %arg1, %mul3A_27 : i32
    "tpu.region"() ({
      %run_scoped3A = tpu.sem_alloc : memref<!tpu.dma_semaphore, #tpu.memory_space<semaphore_mem>>
      %dma_start3A_228 = arith.constant 0 : i32
      %dma_start3A_229 = tpu.memref_slice %arg17[%mul3A_28, %dma_start3A_228] : memref<1408x128xf32, #tpu.memory_space<vmem_shared>> -> memref<88x128xf32, #tpu.memory_space<vmem_shared>>
      %dma_start3A_230 = arith.constant 0 : i32
      %dma_start3A_231 = tpu.memref_slice %arg17[%mul3A_28, %dma_start3A_230] : memref<1408x128xf32, #tpu.memory_space<vmem_shared>> -> memref<88x128xf32, #tpu.memory_space<vmem_shared>>
      tpu.enqueue_dma source(%arg16 : memref<88x128xf32, #tpu.memory_space<vmem>>) target(%dma_start3A_231 : memref<88x128xf32, #tpu.memory_space<vmem_shared>>) target_semaphore(%run_scoped3A : memref<!tpu.dma_semaphore, #tpu.memory_space<semaphore_mem>>)
      %dma_wait3A_232 = arith.constant 0 : i32
      %dma_wait3A_233 = tpu.memref_slice %arg17[%mul3A_28, %dma_wait3A_232] : memref<1408x128xf32, #tpu.memory_space<vmem_shared>> -> memref<88x128xf32, #tpu.memory_space<vmem_shared>>
      %dma_wait3A_234 = arith.constant 0 : i32
      %dma_wait3A_235 = tpu.memref_slice %arg17[%mul3A_28, %dma_wait3A_234] : memref<1408x128xf32, #tpu.memory_space<vmem_shared>> -> memref<88x128xf32, #tpu.memory_space<vmem_shared>>
      tpu.wait_dma2 semaphore(%run_scoped3A : memref<!tpu.dma_semaphore, #tpu.memory_space<semaphore_mem>>) src(%arg16 : memref<88x128xf32, #tpu.memory_space<vmem>>) dst(%dma_wait3A_235 : memref<88x128xf32, #tpu.memory_space<vmem_shared>>)
      tpu.yield
    }) : () -> ()
    %barrier3A = arith.constant 0 : index
    tpu.barrier barrier_id(%barrier3A)
    %get3A = arith.constant 0 : i32
    %get3A_29 = arith.constant 0 : i32
    %get3A_30 = arith.index_cast %get3A : i32 to index
    %get3A_31 = arith.index_cast %get3A_29 : i32 to index
    %get3A_32 = arith.constant 0 : index
    %get3A_33 = tpu.vector_load %arg10[%get3A_30, %get3A_31, %get3A_32] {strides = array<i32>} : memref<1x1x128xf32, #tpu.memory_space<vmem>>, vector<16xf32>,
    %get3A_34 = arith.constant 0 : i32
    %get3A_35 = arith.constant 0 : i32
    %get3A_36 = arith.index_cast %get3A_34 : i32 to index
    %get3A_37 = arith.index_cast %get3A_35 : i32 to index
    %get3A_38 = arith.constant 16 : index
    %get3A_39 = tpu.vector_load %arg10[%get3A_36, %get3A_37, %get3A_38] {strides = array<i32>} : memref<1x1x128xf32, #tpu.memory_space<vmem>>, vector<16xf32>,
    %get3A_40 = arith.constant 0 : i32
    %get3A_41 = arith.constant 0 : i32
    %get3A_42 = arith.index_cast %get3A_40 : i32 to index
    %get3A_43 = arith.index_cast %get3A_41 : i32 to index
    %get3A_44 = arith.constant 32 : index
    %get3A_45 = tpu.vector_load %arg10[%get3A_42, %get3A_43, %get3A_44] {strides = array<i32>} : memref<1x1x128xf32, #tpu.memory_space<vmem>>, vector<16xf32>,
    %get3A_46 = arith.constant 0 : i32
    %get3A_47 = arith.constant 0 : i32
    %get3A_48 = arith.index_cast %get3A_46 : i32 to index
    %get3A_49 = arith.index_cast %get3A_47 : i32 to index
    %get3A_50 = arith.constant 48 : index
    %get3A_51 = tpu.vector_load %arg10[%get3A_48, %get3A_49, %get3A_50] {strides = array<i32>} : memref<1x1x128xf32, #tpu.memory_space<vmem>>, vector<16xf32>,
    %get3A_52 = arith.constant 0 : i32
    %get3A_53 = arith.constant 0 : i32
    %get3A_54 = arith.index_cast %get3A_52 : i32 to index
    %get3A_55 = arith.index_cast %get3A_53 : i32 to index
    %get3A_56 = arith.constant 64 : index
    %get3A_57 = tpu.vector_load %arg10[%get3A_54, %get3A_55, %get3A_56] {strides = array<i32>} : memref<1x1x128xf32, #tpu.memory_space<vmem>>, vector<16xf32>,
    %get3A_58 = arith.constant 0 : i32
    %get3A_59 = arith.constant 0 : i32
    %get3A_60 = arith.index_cast %get3A_58 : i32 to index
    %get3A_61 = arith.index_cast %get3A_59 : i32 to index
    %get3A_62 = arith.constant 80 : index
    %get3A_63 = tpu.vector_load %arg10[%get3A_60, %get3A_61, %get3A_62] {strides = array<i32>} : memref<1x1x128xf32, #tpu.memory_space<vmem>>, vector<16xf32>,
    %get3A_64 = arith.constant 0 : i32
    %get3A_65 = arith.constant 0 : i32
    %get3A_66 = arith.index_cast %get3A_64 : i32 to index
    %get3A_67 = arith.index_cast %get3A_65 : i32 to index
    %get3A_68 = arith.constant 96 : index
    %get3A_69 = tpu.vector_load %arg10[%get3A_66, %get3A_67, %get3A_68] {strides = array<i32>} : memref<1x1x128xf32, #tpu.memory_space<vmem>>, vector<16xf32>,
    %get3A_70 = arith.constant 0 : i32
    %get3A_71 = arith.constant 0 : i32
    %get3A_72 = arith.index_cast %get3A_70 : i32 to index
    %get3A_73 = arith.index_cast %get3A_71 : i32 to index
    %get3A_74 = arith.constant 112 : index
    %get3A_75 = tpu.vector_load %arg10[%get3A_72, %get3A_73, %get3A_74] {strides = array<i32>} : memref<1x1x128xf32, #tpu.memory_space<vmem>>, vector<16xf32>,
    %mul3A_76 = arith.constant 8 : i32
    %mul3A_77 = vector.broadcast %mul3A_76 : i32 to vector<16xi32>
    %mul3A_78 = arith.muli %iota3A, %mul3A_77 : vector<16xi32>
    %add3A = arith.constant 0 : i32
    %add3A_79 = vector.broadcast %add3A : i32 to vector<16xi32>
    %add3A_80 = arith.addi %mul3A_78, %add3A_79 : vector<16xi32>
    %mul3A_81 = arith.constant 8 : i32
    %mul3A_82 = vector.broadcast %mul3A_81 : i32 to vector<16xi32>
    %mul3A_83 = arith.muli %iota3A, %mul3A_82 : vector<16xi32>
    %add3A_84 = arith.constant 1 : i32
    %add3A_85 = vector.broadcast %add3A_84 : i32 to vector<16xi32>
    %add3A_86 = arith.addi %mul3A_83, %add3A_85 : vector<16xi32>
    %mul3A_87 = arith.constant 8 : i32
    %mul3A_88 = vector.broadcast %mul3A_87 : i32 to vector<16xi32>
    %mul3A_89 = arith.muli %iota3A, %mul3A_88 : vector<16xi32>
    %add3A_90 = arith.constant 2 : i32
    %add3A_91 = vector.broadcast %add3A_90 : i32 to vector<16xi32>
    %add3A_92 = arith.addi %mul3A_89, %add3A_91 : vector<16xi32>
    %mul3A_93 = arith.constant 8 : i32
    %mul3A_94 = vector.broadcast %mul3A_93 : i32 to vector<16xi32>
    %mul3A_95 = arith.muli %iota3A, %mul3A_94 : vector<16xi32>
    %add3A_96 = arith.constant 3 : i32
    %add3A_97 = vector.broadcast %add3A_96 : i32 to vector<16xi32>
    %add3A_98 = arith.addi %mul3A_95, %add3A_97 : vector<16xi32>
    %mul3A_99 = arith.constant 8 : i32
    %mul3A_100 = vector.broadcast %mul3A_99 : i32 to vector<16xi32>
    %mul3A_101 = arith.muli %iota3A, %mul3A_100 : vector<16xi32>
    %add3A_102 = arith.constant 4 : i32
    %add3A_103 = vector.broadcast %add3A_102 : i32 to vector<16xi32>
    %add3A_104 = arith.addi %mul3A_101, %add3A_103 : vector<16xi32>
    %mul3A_105 = arith.constant 8 : i32
    %mul3A_106 = vector.broadcast %mul3A_105 : i32 to vector<16xi32>
    %mul3A_107 = arith.muli %iota3A, %mul3A_106 : vector<16xi32>
    %add3A_108 = arith.constant 5 : i32
    %add3A_109 = vector.broadcast %add3A_108 : i32 to vector<16xi32>
    %add3A_110 = arith.addi %mul3A_107, %add3A_109 : vector<16xi32>
    %mul3A_111 = arith.constant 8 : i32
    %mul3A_112 = vector.broadcast %mul3A_111 : i32 to vector<16xi32>
    %mul3A_113 = arith.muli %iota3A, %mul3A_112 : vector<16xi32>
    %add3A_114 = arith.constant 6 : i32
    %add3A_115 = vector.broadcast %add3A_114 : i32 to vector<16xi32>
    %add3A_116 = arith.addi %mul3A_113, %add3A_115 : vector<16xi32>
    %mul3A_117 = arith.constant 8 : i32
    %mul3A_118 = vector.broadcast %mul3A_117 : i32 to vector<16xi32>
    %mul3A_119 = arith.muli %iota3A, %mul3A_118 : vector<16xi32>
    %add3A_120 = arith.constant 7 : i32
    %add3A_121 = vector.broadcast %add3A_120 : i32 to vector<16xi32>
    %add3A_122 = arith.addi %mul3A_119, %add3A_121 : vector<16xi32>
    %get3A_123 = arith.constant 0 : index
    %get3A_124 = tpu.vector_load %arg11[%get3A_123] {strides = array<i32>} : memref<16xf32, #tpu.memory_space<vmem>>, vector<16xf32>,
    %broadcast_in_dim3A = arith.constant 0.000000e+00 : f32
    %broadcast_in_dim3A_125 = vector.broadcast %broadcast_in_dim3A : f32 to vector<16xf32>
    %eq3A_126 = arith.constant 0 : i32
    %eq3A_127 = arith.cmpi eq, %arg1, %eq3A_126 : i32
    %broadcast_in_dim3A_128 = vector.broadcast %eq3A_127 : i1 to vector<16xi1>
    %select_n3A_129 = arith.select %broadcast_in_dim3A_128, %get3A_124, %broadcast_in_dim3A_125 : vector<16xi1>, vector<16xf32>
    %add3A_130 = arith.constant 0 : i32
    %add3A_131 = arith.addi %mul3A_0, %add3A_130 : i32
    %mul3A_132 = arith.constant 128 : i32
    %mul3A_133 = arith.muli %arg1, %mul3A_132 : i32
    %dma_start3A = tpu.memref_slice %arg3[%add3A_131, %mul3A_133] : memref<10000x2048xi32, #tpu.memory_space<hbm>> -> memref<128x128xi32, #tpu.memory_space<hbm>>
    %dma_start3A_134 = tpu.memref_slice %arg3[%add3A_131, %mul3A_133] : memref<10000x2048xi32, #tpu.memory_space<hbm>> -> memref<128x128xi32, #tpu.memory_space<hbm>>
    tpu.enqueue_dma source(%dma_start3A_134 : memref<128x128xi32, #tpu.memory_space<hbm>>) target(%arg8 : memref<128x128xi32, #tpu.memory_space<vmem>>) target_semaphore(%arg18 : memref<!tpu.dma_semaphore, #tpu.memory_space<semaphore_mem>>)
    %sub3A_135 = arith.constant 0 : i32
    %sub3A_136 = arith.subi %select_n3A_20, %sub3A_135 : i32
    %sub3A_137 = arith.constant 1 : i32
    %sub3A_138 = arith.constant 1 : i32
    %sub3A_139 = arith.subi %sub3A_137, %sub3A_138 : i32
    %add3A_140 = arith.addi %sub3A_136, %sub3A_139 : i32
    %div3A_141 = arith.constant 1 : i32
    %div3A_142 = arith.divsi %add3A_140, %div3A_141 : i32
    %while3A = arith.constant 1 : i32
    %while3A_143 = arith.constant 0 : i32
    %while3A_144 = arith.constant 0 : i32
    %while3A_145 = arith.subi %div3A_142, %while3A_144 : i32
    %while3A_146 = arith.addi %while3A_144, %while3A_145 : i32
    %while3A_147 = arith.constant 1 : i32
    %while3A_148 = arith.divsi %while3A_145, %while3A_147 : i32
    %while3A_149 = arith.muli %while3A_148, %while3A_147 : i32
    %while3A_150 = arith.addi %while3A_144, %while3A_149 : i32
    %while3A_151 = arith.constant 1 : i32
    scf.for %while3A_228 = %while3A_144 to %while3A_150 step %while3A_151  : i32 {
      %mul3A_229 = arith.muli %while3A_228, %while3A : i32
      %add3A_230 = arith.addi %while3A_143, %mul3A_229 : i32
      %mul3A_231 = arith.constant 2 : i32
      %mul3A_232 = arith.muli %add3A_230, %mul3A_231 : i32
      %add3A_233 = arith.constant 1 : i32
      %add3A_234 = arith.addi %mul3A_232, %add3A_233 : i32
      %mul3A_235 = arith.constant 128 : i32
      %mul3A_236 = arith.muli %add3A_234, %mul3A_235 : i32
      %add3A_237 = arith.addi %mul3A_0, %mul3A_236 : i32
      %mul3A_238 = arith.constant 128 : i32
      %mul3A_239 = arith.muli %arg1, %mul3A_238 : i32
      %dma_start3A_240 = tpu.memref_slice %arg3[%add3A_237, %mul3A_239] : memref<10000x2048xi32, #tpu.memory_space<hbm>> -> memref<128x128xi32, #tpu.memory_space<hbm>>
      %dma_start3A_241 = tpu.memref_slice %arg3[%add3A_237, %mul3A_239] : memref<10000x2048xi32, #tpu.memory_space<hbm>> -> memref<128x128xi32, #tpu.memory_space<hbm>>
      tpu.enqueue_dma source(%dma_start3A_241 : memref<128x128xi32, #tpu.memory_space<hbm>>) target(%arg9 : memref<128x128xi32, #tpu.memory_space<vmem>>) target_semaphore(%arg19 : memref<!tpu.dma_semaphore, #tpu.memory_space<semaphore_mem>>)
      %dma_wait3A_242 = arith.constant 0 : i32
      %dma_wait3A_243 = arith.constant 0 : i32
      %dma_wait3A_244 = tpu.memref_slice %arg3[%dma_wait3A_242, %dma_wait3A_243] : memref<10000x2048xi32, #tpu.memory_space<hbm>> -> memref<128x128xi32, #tpu.memory_space<hbm>>
      %dma_wait3A_245 = arith.constant 0 : i32
      %dma_wait3A_246 = arith.constant 0 : i32
      %dma_wait3A_247 = tpu.memref_slice %arg3[%dma_wait3A_245, %dma_wait3A_246] : memref<10000x2048xi32, #tpu.memory_space<hbm>> -> memref<128x128xi32, #tpu.memory_space<hbm>>
      tpu.wait_dma2 semaphore(%arg18 : memref<!tpu.dma_semaphore, #tpu.memory_space<semaphore_mem>>) src(%dma_wait3A_247 : memref<128x128xi32, #tpu.memory_space<hbm>>) dst(%arg8 : memref<128x128xi32, #tpu.memory_space<vmem>>)
      %gt3A = arith.constant 0 : i32
      %gt3A_248 = arith.cmpi sgt, %add3A_230, %gt3A : i32
      %convert_element_type3A_249 = arith.extui %gt3A_248 : i1 to i32
      %cond3A_250 = arith.constant 0 : i32
      %cond3A_251 = arith.cmpi ne, %convert_element_type3A_249, %cond3A_250 : i32
      scf.if %cond3A_251 {
        %dma_wait3A_319 = arith.constant 0 : i32
        %dma_wait3A_320 = arith.constant 0 : i32
        %dma_wait3A_321 = tpu.memref_slice %arg17[%dma_wait3A_319, %dma_wait3A_320] : memref<1408x128xf32, #tpu.memory_space<vmem_shared>> -> memref<1408x128xf32, #tpu.memory_space<vmem_shared>>
        tpu.wait_indirect_dma semaphore(%arg20 : memref<!tpu.dma_semaphore, #tpu.memory_space<semaphore_mem>>) src(%arg12 : memref<16x128xf32, #tpu.memory_space<vmem>>) dst(%dma_wait3A_321 : memref<1408x128xf32, #tpu.memory_space<vmem_shared>>)
        %dma_wait3A_322 = arith.constant 0 : i32
        %dma_wait3A_323 = arith.constant 0 : i32
        %dma_wait3A_324 = tpu.memref_slice %arg17[%dma_wait3A_322, %dma_wait3A_323] : memref<1408x128xf32, #tpu.memory_space<vmem_shared>> -> memref<1408x128xf32, #tpu.memory_space<vmem_shared>>
        tpu.wait_indirect_dma semaphore(%arg20 : memref<!tpu.dma_semaphore, #tpu.memory_space<semaphore_mem>>) src(%arg13 : memref<16x128xf32, #tpu.memory_space<vmem>>) dst(%dma_wait3A_324 : memref<1408x128xf32, #tpu.memory_space<vmem_shared>>)
      } else {
      }
      %scan3A_252 = arith.constant 0 : i32
      %scan3A_253 = arith.constant 128 : i32
      %scan3A_254 = arith.addi %scan3A_252, %scan3A_253 : i32
      %scan3A_255 = arith.constant 1 : i32
      scf.for %scan3A_319 = %scan3A_252 to %scan3A_254 step %scan3A_255  : i32 {
        %mul3A_320 = arith.constant 1 : i32
        %mul3A_321 = arith.muli %scan3A_319, %mul3A_320 : i32
        %add3A_322 = arith.constant 0 : i32
        %add3A_323 = arith.addi %add3A_322, %mul3A_321 : i32
        %broadcast_in_dim3A_324 = vector.broadcast %add3A_323 : i32 to vector<16xi32>
        %gather3A = tpu.vector_load_idx %arg8[%broadcast_in_dim3A_324, %add3A_80] : memref<128x128xi32, #tpu.memory_space<vmem>>[vector<16xi32>, vector<16xi32>], vector<16xi32>,
        %gather3A_325 = tpu.vector_load_idx %arg7[%gather3A] : memref<10240xi32, #tpu.memory_space<vmem>>[vector<16xi32>], vector<16xi32>,
        %gather3A_326 = tpu.vector_load_idx %arg8[%broadcast_in_dim3A_324, %add3A_86] : memref<128x128xi32, #tpu.memory_space<vmem>>[vector<16xi32>, vector<16xi32>], vector<16xi32>,
        %gather3A_327 = tpu.vector_load_idx %arg7[%gather3A_326] : memref<10240xi32, #tpu.memory_space<vmem>>[vector<16xi32>], vector<16xi32>,
        %gather3A_328 = tpu.vector_load_idx %arg8[%broadcast_in_dim3A_324, %add3A_92] : memref<128x128xi32, #tpu.memory_space<vmem>>[vector<16xi32>, vector<16xi32>], vector<16xi32>,
        %gather3A_329 = tpu.vector_load_idx %arg7[%gather3A_328] : memref<10240xi32, #tpu.memory_space<vmem>>[vector<16xi32>], vector<16xi32>,
        %gather3A_330 = tpu.vector_load_idx %arg8[%broadcast_in_dim3A_324, %add3A_98] : memref<128x128xi32, #tpu.memory_space<vmem>>[vector<16xi32>, vector<16xi32>], vector<16xi32>,
        %gather3A_331 = tpu.vector_load_idx %arg7[%gather3A_330] : memref<10240xi32, #tpu.memory_space<vmem>>[vector<16xi32>], vector<16xi32>,
        %gather3A_332 = tpu.vector_load_idx %arg8[%broadcast_in_dim3A_324, %add3A_104] : memref<128x128xi32, #tpu.memory_space<vmem>>[vector<16xi32>, vector<16xi32>], vector<16xi32>,
        %gather3A_333 = tpu.vector_load_idx %arg7[%gather3A_332] : memref<10240xi32, #tpu.memory_space<vmem>>[vector<16xi32>], vector<16xi32>,
        %gather3A_334 = tpu.vector_load_idx %arg8[%broadcast_in_dim3A_324, %add3A_110] : memref<128x128xi32, #tpu.memory_space<vmem>>[vector<16xi32>, vector<16xi32>], vector<16xi32>,
        %gather3A_335 = tpu.vector_load_idx %arg7[%gather3A_334] : memref<10240xi32, #tpu.memory_space<vmem>>[vector<16xi32>], vector<16xi32>,
        %gather3A_336 = tpu.vector_load_idx %arg8[%broadcast_in_dim3A_324, %add3A_116] : memref<128x128xi32, #tpu.memory_space<vmem>>[vector<16xi32>, vector<16xi32>], vector<16xi32>,
        %gather3A_337 = tpu.vector_load_idx %arg7[%gather3A_336] : memref<10240xi32, #tpu.memory_space<vmem>>[vector<16xi32>], vector<16xi32>,
        %gather3A_338 = tpu.vector_load_idx %arg8[%broadcast_in_dim3A_324, %add3A_122] : memref<128x128xi32, #tpu.memory_space<vmem>>[vector<16xi32>, vector<16xi32>], vector<16xi32>,
        %gather3A_339 = tpu.vector_load_idx %arg7[%gather3A_338] : memref<10240xi32, #tpu.memory_space<vmem>>[vector<16xi32>], vector<16xi32>,
        %bitcast3A = vector.bitcast %gather3A_325 : vector<16xi32> to vector<16xf32>
        %mul3A_340 = arith.mulf %get3A_33, %bitcast3A : vector<16xf32>
        %bitcast3A_341 = vector.bitcast %gather3A_327 : vector<16xi32> to vector<16xf32>
        %mul3A_342 = arith.mulf %get3A_39, %bitcast3A_341 : vector<16xf32>
        %bitcast3A_343 = vector.bitcast %gather3A_329 : vector<16xi32> to vector<16xf32>
        %mul3A_344 = arith.mulf %get3A_45, %bitcast3A_343 : vector<16xf32>
        %bitcast3A_345 = vector.bitcast %gather3A_331 : vector<16xi32> to vector<16xf32>
        %mul3A_346 = arith.mulf %get3A_51, %bitcast3A_345 : vector<16xf32>
        %bitcast3A_347 = vector.bitcast %gather3A_333 : vector<16xi32> to vector<16xf32>
        %mul3A_348 = arith.mulf %get3A_57, %bitcast3A_347 : vector<16xf32>
        %bitcast3A_349 = vector.bitcast %gather3A_335 : vector<16xi32> to vector<16xf32>
        %mul3A_350 = arith.mulf %get3A_63, %bitcast3A_349 : vector<16xf32>
        %bitcast3A_351 = vector.bitcast %gather3A_337 : vector<16xi32> to vector<16xf32>
        %mul3A_352 = arith.mulf %get3A_69, %bitcast3A_351 : vector<16xf32>
        %bitcast3A_353 = vector.bitcast %gather3A_339 : vector<16xi32> to vector<16xf32>
        %mul3A_354 = arith.mulf %get3A_75, %bitcast3A_353 : vector<16xf32>
        %shift_left3A = arith.constant 16 : i32
        %shift_left3A_355 = vector.broadcast %shift_left3A : i32 to vector<16xi32>
        %shift_left3A_356 = arith.shli %gather3A_325, %shift_left3A_355 : vector<16xi32>
        %bitcast3A_357 = vector.bitcast %shift_left3A_356 : vector<16xi32> to vector<16xf32>
        %mul3A_358 = arith.mulf %get3A_33, %bitcast3A_357 : vector<16xf32>
        %shift_left3A_359 = arith.constant 16 : i32
        %shift_left3A_360 = vector.broadcast %shift_left3A_359 : i32 to vector<16xi32>
        %shift_left3A_361 = arith.shli %gather3A_327, %shift_left3A_360 : vector<16xi32>
        %bitcast3A_362 = vector.bitcast %shift_left3A_361 : vector<16xi32> to vector<16xf32>
        %mul3A_363 = arith.mulf %get3A_39, %bitcast3A_362 : vector<16xf32>
        %shift_left3A_364 = arith.constant 16 : i32
        %shift_left3A_365 = vector.broadcast %shift_left3A_364 : i32 to vector<16xi32>
        %shift_left3A_366 = arith.shli %gather3A_329, %shift_left3A_365 : vector<16xi32>
        %bitcast3A_367 = vector.bitcast %shift_left3A_366 : vector<16xi32> to vector<16xf32>
        %mul3A_368 = arith.mulf %get3A_45, %bitcast3A_367 : vector<16xf32>
        %shift_left3A_369 = arith.constant 16 : i32
        %shift_left3A_370 = vector.broadcast %shift_left3A_369 : i32 to vector<16xi32>
        %shift_left3A_371 = arith.shli %gather3A_331, %shift_left3A_370 : vector<16xi32>
        %bitcast3A_372 = vector.bitcast %shift_left3A_371 : vector<16xi32> to vector<16xf32>
        %mul3A_373 = arith.mulf %get3A_51, %bitcast3A_372 : vector<16xf32>
        %shift_left3A_374 = arith.constant 16 : i32
        %shift_left3A_375 = vector.broadcast %shift_left3A_374 : i32 to vector<16xi32>
        %shift_left3A_376 = arith.shli %gather3A_333, %shift_left3A_375 : vector<16xi32>
        %bitcast3A_377 = vector.bitcast %shift_left3A_376 : vector<16xi32> to vector<16xf32>
        %mul3A_378 = arith.mulf %get3A_57, %bitcast3A_377 : vector<16xf32>
        %shift_left3A_379 = arith.constant 16 : i32
        %shift_left3A_380 = vector.broadcast %shift_left3A_379 : i32 to vector<16xi32>
        %shift_left3A_381 = arith.shli %gather3A_335, %shift_left3A_380 : vector<16xi32>
        %bitcast3A_382 = vector.bitcast %shift_left3A_381 : vector<16xi32> to vector<16xf32>
        %mul3A_383 = arith.mulf %get3A_63, %bitcast3A_382 : vector<16xf32>
        %shift_left3A_384 = arith.constant 16 : i32
        %shift_left3A_385 = vector.broadcast %shift_left3A_384 : i32 to vector<16xi32>
        %shift_left3A_386 = arith.shli %gather3A_337, %shift_left3A_385 : vector<16xi32>
        %bitcast3A_387 = vector.bitcast %shift_left3A_386 : vector<16xi32> to vector<16xf32>
        %mul3A_388 = arith.mulf %get3A_69, %bitcast3A_387 : vector<16xf32>
        %shift_left3A_389 = arith.constant 16 : i32
        %shift_left3A_390 = vector.broadcast %shift_left3A_389 : i32 to vector<16xi32>
        %shift_left3A_391 = arith.shli %gather3A_339, %shift_left3A_390 : vector<16xi32>
        %bitcast3A_392 = vector.bitcast %shift_left3A_391 : vector<16xi32> to vector<16xf32>
        %mul3A_393 = arith.mulf %get3A_75, %bitcast3A_392 : vector<16xf32>
        %shift_right_arithmetic3A = arith.constant 3 : i32
        %shift_right_arithmetic3A_394 = arith.shrsi %add3A_323, %shift_right_arithmetic3A : i32
        %and3A_395 = arith.constant 7 : i32
        %and3A_396 = arith.andi %add3A_323, %and3A_395 : i32
        %mul3A_397 = arith.constant 16 : i32
        %mul3A_398 = arith.muli %and3A_396, %mul3A_397 : i32
        %add3A_399 = arith.addf %mul3A_340, %mul3A_342 : vector<16xf32>
        %add3A_400 = arith.addf %mul3A_344, %mul3A_346 : vector<16xf32>
        %add3A_401 = arith.addf %add3A_399, %add3A_400 : vector<16xf32>
        %add3A_402 = arith.addf %mul3A_348, %mul3A_350 : vector<16xf32>
        %add3A_403 = arith.addf %mul3A_352, %mul3A_354 : vector<16xf32>
        %add3A_404 = arith.addf %add3A_402, %add3A_403 : vector<16xf32>
        %add3A_405 = arith.addf %add3A_401, %add3A_404 : vector<16xf32>
        %add3A_406 = arith.addf %add3A_405, %select_n3A_129 : vector<16xf32>
        %swap3A = arith.index_cast %shift_right_arithmetic3A_394 : i32 to index
        %swap3A_407 = arith.index_cast %mul3A_398 : i32 to index
        %swap3A_408 = tpu.vector_load %arg12[%swap3A, %swap3A_407] {strides = array<i32>} : memref<16x128xf32, #tpu.memory_space<vmem>>, vector<16xf32>,
        tpu.vector_store %arg12[%swap3A, %swap3A_407], %add3A_406 {strides = array<i32>} : memref<16x128xf32, #tpu.memory_space<vmem>>, vector<16xf32>,
        %add3A_409 = arith.addf %mul3A_358, %mul3A_363 : vector<16xf32>
        %add3A_410 = arith.addf %mul3A_368, %mul3A_373 : vector<16xf32>
        %add3A_411 = arith.addf %add3A_409, %add3A_410 : vector<16xf32>
        %add3A_412 = arith.addf %mul3A_378, %mul3A_383 : vector<16xf32>
        %add3A_413 = arith.addf %mul3A_388, %mul3A_393 : vector<16xf32>
        %add3A_414 = arith.addf %add3A_412, %add3A_413 : vector<16xf32>
        %add3A_415 = arith.addf %add3A_411, %add3A_414 : vector<16xf32>
        %add3A_416 = arith.addf %add3A_415, %select_n3A_129 : vector<16xf32>
        %swap3A_417 = arith.index_cast %shift_right_arithmetic3A_394 : i32 to index
        %swap3A_418 = arith.index_cast %mul3A_398 : i32 to index
        %swap3A_419 = tpu.vector_load %arg13[%swap3A_417, %swap3A_418] {strides = array<i32>} : memref<16x128xf32, #tpu.memory_space<vmem>>, vector<16xf32>,
        tpu.vector_store %arg13[%swap3A_417, %swap3A_418], %add3A_416 {strides = array<i32>} : memref<16x128xf32, #tpu.memory_space<vmem>>, vector<16xf32>,
      }
      %scan3A_256 = arith.constant 128 : i32
      %mul3A_257 = arith.constant 16 : i32
      %mul3A_258 = arith.muli %mul3A_232, %mul3A_257 : i32
      %add3A_259 = arith.constant 0 : i32
      %add3A_260 = arith.addi %add3A_259, %mul3A_258 : i32
      %broadcast_in_dim3A_261 = vector.broadcast %add3A_260 : i32 to vector<16xi32>
      %add3A_262 = arith.addi %broadcast_in_dim3A_261, %iota3A : vector<16xi32>
      %dma_start3A_263 = arith.constant 0 : i32
      %dma_start3A_264 = arith.constant 0 : i32
      %dma_start3A_265 = tpu.memref_slice %arg17[%dma_start3A_263, %dma_start3A_264] : memref<1408x128xf32, #tpu.memory_space<vmem_shared>> -> memref<1408x128xf32, #tpu.memory_space<vmem_shared>>
      tpu.enqueue_indirect_dma source(%arg12 : memref<16x128xf32, #tpu.memory_space<vmem>>) target(%dma_start3A_265 : memref<1408x128xf32, #tpu.memory_space<vmem_shared>>) offsets(%add3A_262 : vector<16xi32>) semaphore(%arg20 : memref<!tpu.dma_semaphore, #tpu.memory_space<semaphore_mem>>) {add = true}
      %mul3A_266 = arith.constant 16 : i32
      %mul3A_267 = arith.muli %mul3A_232, %mul3A_266 : i32
      %add3A_268 = arith.constant 704 : i32
      %add3A_269 = arith.addi %add3A_268, %mul3A_267 : i32
      %broadcast_in_dim3A_270 = vector.broadcast %add3A_269 : i32 to vector<16xi32>
      %add3A_271 = arith.addi %broadcast_in_dim3A_270, %iota3A : vector<16xi32>
      %dma_start3A_272 = arith.constant 0 : i32
      %dma_start3A_273 = arith.constant 0 : i32
      %dma_start3A_274 = tpu.memref_slice %arg17[%dma_start3A_272, %dma_start3A_273] : memref<1408x128xf32, #tpu.memory_space<vmem_shared>> -> memref<1408x128xf32, #tpu.memory_space<vmem_shared>>
      tpu.enqueue_indirect_dma source(%arg13 : memref<16x128xf32, #tpu.memory_space<vmem>>) target(%dma_start3A_274 : memref<1408x128xf32, #tpu.memory_space<vmem_shared>>) offsets(%add3A_271 : vector<16xi32>) semaphore(%arg20 : memref<!tpu.dma_semaphore, #tpu.memory_space<semaphore_mem>>) {add = true}
      %add3A_275 = arith.constant 2 : i32
      %add3A_276 = arith.addi %mul3A_232, %add3A_275 : i32
      %lt3A_277 = arith.cmpi slt, %add3A_276, %select_n3A : i32
      %convert_element_type3A_278 = arith.extui %lt3A_277 : i1 to i32
      %cond3A_279 = arith.constant 0 : i32
      %cond3A_280 = arith.cmpi ne, %convert_element_type3A_278, %cond3A_279 : i32
      scf.if %cond3A_280 {
        %add3A_319 = arith.constant 2 : i32
        %add3A_320 = arith.addi %mul3A_232, %add3A_319 : i32
        %mul3A_321 = arith.constant 128 : i32
        %mul3A_322 = arith.muli %add3A_320, %mul3A_321 : i32
        %add3A_323 = arith.addi %mul3A_0, %mul3A_322 : i32
        %mul3A_324 = arith.constant 128 : i32
        %mul3A_325 = arith.muli %arg1, %mul3A_324 : i32
        %dma_start3A_326 = tpu.memref_slice %arg3[%add3A_323, %mul3A_325] : memref<10000x2048xi32, #tpu.memory_space<hbm>> -> memref<128x128xi32, #tpu.memory_space<hbm>>
        %dma_start3A_327 = tpu.memref_slice %arg3[%add3A_323, %mul3A_325] : memref<10000x2048xi32, #tpu.memory_space<hbm>> -> memref<128x128xi32, #tpu.memory_space<hbm>>
        tpu.enqueue_dma source(%dma_start3A_327 : memref<128x128xi32, #tpu.memory_space<hbm>>) target(%arg8 : memref<128x128xi32, #tpu.memory_space<vmem>>) target_semaphore(%arg18 : memref<!tpu.dma_semaphore, #tpu.memory_space<semaphore_mem>>)
      } else {
      }
      %dma_wait3A_281 = arith.constant 0 : i32
      %dma_wait3A_282 = arith.constant 0 : i32
      %dma_wait3A_283 = tpu.memref_slice %arg3[%dma_wait3A_281, %dma_wait3A_282] : memref<10000x2048xi32, #tpu.memory_space<hbm>> -> memref<128x128xi32, #tpu.memory_space<hbm>>
      %dma_wait3A_284 = arith.constant 0 : i32
      %dma_wait3A_285 = arith.constant 0 : i32
      %dma_wait3A_286 = tpu.memref_slice %arg3[%dma_wait3A_284, %dma_wait3A_285] : memref<10000x2048xi32, #tpu.memory_space<hbm>> -> memref<128x128xi32, #tpu.memory_space<hbm>>
      tpu.wait_dma2 semaphore(%arg19 : memref<!tpu.dma_semaphore, #tpu.memory_space<semaphore_mem>>) src(%dma_wait3A_286 : memref<128x128xi32, #tpu.memory_space<hbm>>) dst(%arg9 : memref<128x128xi32, #tpu.memory_space<vmem>>)
      %gt3A_287 = arith.constant 0 : i32
      %gt3A_288 = arith.cmpi sgt, %add3A_230, %gt3A_287 : i32
      %convert_element_type3A_289 = arith.extui %gt3A_288 : i1 to i32
      %cond3A_290 = arith.constant 0 : i32
      %cond3A_291 = arith.cmpi ne, %convert_element_type3A_289, %cond3A_290 : i32
      scf.if %cond3A_291 {
        %dma_wait3A_319 = arith.constant 0 : i32
        %dma_wait3A_320 = arith.constant 0 : i32
        %dma_wait3A_321 = tpu.memref_slice %arg17[%dma_wait3A_319, %dma_wait3A_320] : memref<1408x128xf32, #tpu.memory_space<vmem_shared>> -> memref<1408x128xf32, #tpu.memory_space<vmem_shared>>
        tpu.wait_indirect_dma semaphore(%arg21 : memref<!tpu.dma_semaphore, #tpu.memory_space<semaphore_mem>>) src(%arg14 : memref<16x128xf32, #tpu.memory_space<vmem>>) dst(%dma_wait3A_321 : memref<1408x128xf32, #tpu.memory_space<vmem_shared>>)
        %dma_wait3A_322 = arith.constant 0 : i32
        %dma_wait3A_323 = arith.constant 0 : i32
        %dma_wait3A_324 = tpu.memref_slice %arg17[%dma_wait3A_322, %dma_wait3A_323] : memref<1408x128xf32, #tpu.memory_space<vmem_shared>> -> memref<1408x128xf32, #tpu.memory_space<vmem_shared>>
        tpu.wait_indirect_dma semaphore(%arg21 : memref<!tpu.dma_semaphore, #tpu.memory_space<semaphore_mem>>) src(%arg15 : memref<16x128xf32, #tpu.memory_space<vmem>>) dst(%dma_wait3A_324 : memref<1408x128xf32, #tpu.memory_space<vmem_shared>>)
      } else {
      }
      %scan3A_292 = arith.constant 0 : i32
      %scan3A_293 = arith.constant 128 : i32
      %scan3A_294 = arith.addi %scan3A_292, %scan3A_293 : i32
      %scan3A_295 = arith.constant 1 : i32
      scf.for %scan3A_319 = %scan3A_292 to %scan3A_294 step %scan3A_295  : i32 {
        %mul3A_320 = arith.constant 1 : i32
        %mul3A_321 = arith.muli %scan3A_319, %mul3A_320 : i32
        %add3A_322 = arith.constant 0 : i32
        %add3A_323 = arith.addi %add3A_322, %mul3A_321 : i32
        %broadcast_in_dim3A_324 = vector.broadcast %add3A_323 : i32 to vector<16xi32>
        %gather3A = tpu.vector_load_idx %arg9[%broadcast_in_dim3A_324, %add3A_80] : memref<128x128xi32, #tpu.memory_space<vmem>>[vector<16xi32>, vector<16xi32>], vector<16xi32>,
        %gather3A_325 = tpu.vector_load_idx %arg7[%gather3A] : memref<10240xi32, #tpu.memory_space<vmem>>[vector<16xi32>], vector<16xi32>,
        %gather3A_326 = tpu.vector_load_idx %arg9[%broadcast_in_dim3A_324, %add3A_86] : memref<128x128xi32, #tpu.memory_space<vmem>>[vector<16xi32>, vector<16xi32>], vector<16xi32>,
        %gather3A_327 = tpu.vector_load_idx %arg7[%gather3A_326] : memref<10240xi32, #tpu.memory_space<vmem>>[vector<16xi32>], vector<16xi32>,
        %gather3A_328 = tpu.vector_load_idx %arg9[%broadcast_in_dim3A_324, %add3A_92] : memref<128x128xi32, #tpu.memory_space<vmem>>[vector<16xi32>, vector<16xi32>], vector<16xi32>,
        %gather3A_329 = tpu.vector_load_idx %arg7[%gather3A_328] : memref<10240xi32, #tpu.memory_space<vmem>>[vector<16xi32>], vector<16xi32>,
        %gather3A_330 = tpu.vector_load_idx %arg9[%broadcast_in_dim3A_324, %add3A_98] : memref<128x128xi32, #tpu.memory_space<vmem>>[vector<16xi32>, vector<16xi32>], vector<16xi32>,
        %gather3A_331 = tpu.vector_load_idx %arg7[%gather3A_330] : memref<10240xi32, #tpu.memory_space<vmem>>[vector<16xi32>], vector<16xi32>,
        %gather3A_332 = tpu.vector_load_idx %arg9[%broadcast_in_dim3A_324, %add3A_104] : memref<128x128xi32, #tpu.memory_space<vmem>>[vector<16xi32>, vector<16xi32>], vector<16xi32>,
        %gather3A_333 = tpu.vector_load_idx %arg7[%gather3A_332] : memref<10240xi32, #tpu.memory_space<vmem>>[vector<16xi32>], vector<16xi32>,
        %gather3A_334 = tpu.vector_load_idx %arg9[%broadcast_in_dim3A_324, %add3A_110] : memref<128x128xi32, #tpu.memory_space<vmem>>[vector<16xi32>, vector<16xi32>], vector<16xi32>,
        %gather3A_335 = tpu.vector_load_idx %arg7[%gather3A_334] : memref<10240xi32, #tpu.memory_space<vmem>>[vector<16xi32>], vector<16xi32>,
        %gather3A_336 = tpu.vector_load_idx %arg9[%broadcast_in_dim3A_324, %add3A_116] : memref<128x128xi32, #tpu.memory_space<vmem>>[vector<16xi32>, vector<16xi32>], vector<16xi32>,
        %gather3A_337 = tpu.vector_load_idx %arg7[%gather3A_336] : memref<10240xi32, #tpu.memory_space<vmem>>[vector<16xi32>], vector<16xi32>,
        %gather3A_338 = tpu.vector_load_idx %arg9[%broadcast_in_dim3A_324, %add3A_122] : memref<128x128xi32, #tpu.memory_space<vmem>>[vector<16xi32>, vector<16xi32>], vector<16xi32>,
        %gather3A_339 = tpu.vector_load_idx %arg7[%gather3A_338] : memref<10240xi32, #tpu.memory_space<vmem>>[vector<16xi32>], vector<16xi32>,
        %bitcast3A = vector.bitcast %gather3A_325 : vector<16xi32> to vector<16xf32>
        %mul3A_340 = arith.mulf %get3A_33, %bitcast3A : vector<16xf32>
        %bitcast3A_341 = vector.bitcast %gather3A_327 : vector<16xi32> to vector<16xf32>
        %mul3A_342 = arith.mulf %get3A_39, %bitcast3A_341 : vector<16xf32>
        %bitcast3A_343 = vector.bitcast %gather3A_329 : vector<16xi32> to vector<16xf32>
        %mul3A_344 = arith.mulf %get3A_45, %bitcast3A_343 : vector<16xf32>
        %bitcast3A_345 = vector.bitcast %gather3A_331 : vector<16xi32> to vector<16xf32>
        %mul3A_346 = arith.mulf %get3A_51, %bitcast3A_345 : vector<16xf32>
        %bitcast3A_347 = vector.bitcast %gather3A_333 : vector<16xi32> to vector<16xf32>
        %mul3A_348 = arith.mulf %get3A_57, %bitcast3A_347 : vector<16xf32>
        %bitcast3A_349 = vector.bitcast %gather3A_335 : vector<16xi32> to vector<16xf32>
        %mul3A_350 = arith.mulf %get3A_63, %bitcast3A_349 : vector<16xf32>
        %bitcast3A_351 = vector.bitcast %gather3A_337 : vector<16xi32> to vector<16xf32>
        %mul3A_352 = arith.mulf %get3A_69, %bitcast3A_351 : vector<16xf32>
        %bitcast3A_353 = vector.bitcast %gather3A_339 : vector<16xi32> to vector<16xf32>
        %mul3A_354 = arith.mulf %get3A_75, %bitcast3A_353 : vector<16xf32>
        %shift_left3A = arith.constant 16 : i32
        %shift_left3A_355 = vector.broadcast %shift_left3A : i32 to vector<16xi32>
        %shift_left3A_356 = arith.shli %gather3A_325, %shift_left3A_355 : vector<16xi32>
        %bitcast3A_357 = vector.bitcast %shift_left3A_356 : vector<16xi32> to vector<16xf32>
        %mul3A_358 = arith.mulf %get3A_33, %bitcast3A_357 : vector<16xf32>
        %shift_left3A_359 = arith.constant 16 : i32
        %shift_left3A_360 = vector.broadcast %shift_left3A_359 : i32 to vector<16xi32>
        %shift_left3A_361 = arith.shli %gather3A_327, %shift_left3A_360 : vector<16xi32>
        %bitcast3A_362 = vector.bitcast %shift_left3A_361 : vector<16xi32> to vector<16xf32>
        %mul3A_363 = arith.mulf %get3A_39, %bitcast3A_362 : vector<16xf32>
        %shift_left3A_364 = arith.constant 16 : i32
        %shift_left3A_365 = vector.broadcast %shift_left3A_364 : i32 to vector<16xi32>
        %shift_left3A_366 = arith.shli %gather3A_329, %shift_left3A_365 : vector<16xi32>
        %bitcast3A_367 = vector.bitcast %shift_left3A_366 : vector<16xi32> to vector<16xf32>
        %mul3A_368 = arith.mulf %get3A_45, %bitcast3A_367 : vector<16xf32>
        %shift_left3A_369 = arith.constant 16 : i32
        %shift_left3A_370 = vector.broadcast %shift_left3A_369 : i32 to vector<16xi32>
        %shift_left3A_371 = arith.shli %gather3A_331, %shift_left3A_370 : vector<16xi32>
        %bitcast3A_372 = vector.bitcast %shift_left3A_371 : vector<16xi32> to vector<16xf32>
        %mul3A_373 = arith.mulf %get3A_51, %bitcast3A_372 : vector<16xf32>
        %shift_left3A_374 = arith.constant 16 : i32
        %shift_left3A_375 = vector.broadcast %shift_left3A_374 : i32 to vector<16xi32>
        %shift_left3A_376 = arith.shli %gather3A_333, %shift_left3A_375 : vector<16xi32>
        %bitcast3A_377 = vector.bitcast %shift_left3A_376 : vector<16xi32> to vector<16xf32>
        %mul3A_378 = arith.mulf %get3A_57, %bitcast3A_377 : vector<16xf32>
        %shift_left3A_379 = arith.constant 16 : i32
        %shift_left3A_380 = vector.broadcast %shift_left3A_379 : i32 to vector<16xi32>
        %shift_left3A_381 = arith.shli %gather3A_335, %shift_left3A_380 : vector<16xi32>
        %bitcast3A_382 = vector.bitcast %shift_left3A_381 : vector<16xi32> to vector<16xf32>
        %mul3A_383 = arith.mulf %get3A_63, %bitcast3A_382 : vector<16xf32>
        %shift_left3A_384 = arith.constant 16 : i32
        %shift_left3A_385 = vector.broadcast %shift_left3A_384 : i32 to vector<16xi32>
        %shift_left3A_386 = arith.shli %gather3A_337, %shift_left3A_385 : vector<16xi32>
        %bitcast3A_387 = vector.bitcast %shift_left3A_386 : vector<16xi32> to vector<16xf32>
        %mul3A_388 = arith.mulf %get3A_69, %bitcast3A_387 : vector<16xf32>
        %shift_left3A_389 = arith.constant 16 : i32
        %shift_left3A_390 = vector.broadcast %shift_left3A_389 : i32 to vector<16xi32>
        %shift_left3A_391 = arith.shli %gather3A_339, %shift_left3A_390 : vector<16xi32>
        %bitcast3A_392 = vector.bitcast %shift_left3A_391 : vector<16xi32> to vector<16xf32>
        %mul3A_393 = arith.mulf %get3A_75, %bitcast3A_392 : vector<16xf32>
        %shift_right_arithmetic3A = arith.constant 3 : i32
        %shift_right_arithmetic3A_394 = arith.shrsi %add3A_323, %shift_right_arithmetic3A : i32
        %and3A_395 = arith.constant 7 : i32
        %and3A_396 = arith.andi %add3A_323, %and3A_395 : i32
        %mul3A_397 = arith.constant 16 : i32
        %mul3A_398 = arith.muli %and3A_396, %mul3A_397 : i32
        %add3A_399 = arith.addf %mul3A_340, %mul3A_342 : vector<16xf32>
        %add3A_400 = arith.addf %mul3A_344, %mul3A_346 : vector<16xf32>
        %add3A_401 = arith.addf %add3A_399, %add3A_400 : vector<16xf32>
        %add3A_402 = arith.addf %mul3A_348, %mul3A_350 : vector<16xf32>
        %add3A_403 = arith.addf %mul3A_352, %mul3A_354 : vector<16xf32>
        %add3A_404 = arith.addf %add3A_402, %add3A_403 : vector<16xf32>
        %add3A_405 = arith.addf %add3A_401, %add3A_404 : vector<16xf32>
        %add3A_406 = arith.addf %add3A_405, %select_n3A_129 : vector<16xf32>
        %swap3A = arith.index_cast %shift_right_arithmetic3A_394 : i32 to index
        %swap3A_407 = arith.index_cast %mul3A_398 : i32 to index
        %swap3A_408 = tpu.vector_load %arg14[%swap3A, %swap3A_407] {strides = array<i32>} : memref<16x128xf32, #tpu.memory_space<vmem>>, vector<16xf32>,
        tpu.vector_store %arg14[%swap3A, %swap3A_407], %add3A_406 {strides = array<i32>} : memref<16x128xf32, #tpu.memory_space<vmem>>, vector<16xf32>,
        %add3A_409 = arith.addf %mul3A_358, %mul3A_363 : vector<16xf32>
        %add3A_410 = arith.addf %mul3A_368, %mul3A_373 : vector<16xf32>
        %add3A_411 = arith.addf %add3A_409, %add3A_410 : vector<16xf32>
        %add3A_412 = arith.addf %mul3A_378, %mul3A_383 : vector<16xf32>
        %add3A_413 = arith.addf %mul3A_388, %mul3A_393 : vector<16xf32>
        %add3A_414 = arith.addf %add3A_412, %add3A_413 : vector<16xf32>
        %add3A_415 = arith.addf %add3A_411, %add3A_414 : vector<16xf32>
        %add3A_416 = arith.addf %add3A_415, %select_n3A_129 : vector<16xf32>
        %swap3A_417 = arith.index_cast %shift_right_arithmetic3A_394 : i32 to index
        %swap3A_418 = arith.index_cast %mul3A_398 : i32 to index
        %swap3A_419 = tpu.vector_load %arg15[%swap3A_417, %swap3A_418] {strides = array<i32>} : memref<16x128xf32, #tpu.memory_space<vmem>>, vector<16xf32>,
        tpu.vector_store %arg15[%swap3A_417, %swap3A_418], %add3A_416 {strides = array<i32>} : memref<16x128xf32, #tpu.memory_space<vmem>>, vector<16xf32>,
      }
      %scan3A_296 = arith.constant 128 : i32
      %add3A_297 = arith.constant 1 : i32
      %add3A_298 = arith.addi %mul3A_232, %add3A_297 : i32
      %mul3A_299 = arith.constant 16 : i32
      %mul3A_300 = arith.muli %add3A_298, %mul3A_299 : i32
      %add3A_301 = arith.constant 0 : i32
      %add3A_302 = arith.addi %add3A_301, %mul3A_300 : i32
      %broadcast_in_dim3A_303 = vector.broadcast %add3A_302 : i32 to vector<16xi32>
      %add3A_304 = arith.addi %broadcast_in_dim3A_303, %iota3A : vector<16xi32>
      %dma_start3A_305 = arith.constant 0 : i32
      %dma_start3A_306 = arith.constant 0 : i32
      %dma_start3A_307 = tpu.memref_slice %arg17[%dma_start3A_305, %dma_start3A_306] : memref<1408x128xf32, #tpu.memory_space<vmem_shared>> -> memref<1408x128xf32, #tpu.memory_space<vmem_shared>>
      tpu.enqueue_indirect_dma source(%arg14 : memref<16x128xf32, #tpu.memory_space<vmem>>) target(%dma_start3A_307 : memref<1408x128xf32, #tpu.memory_space<vmem_shared>>) offsets(%add3A_304 : vector<16xi32>) semaphore(%arg21 : memref<!tpu.dma_semaphore, #tpu.memory_space<semaphore_mem>>) {add = true}
      %add3A_308 = arith.constant 1 : i32
      %add3A_309 = arith.addi %mul3A_232, %add3A_308 : i32
      %mul3A_310 = arith.constant 16 : i32
      %mul3A_311 = arith.muli %add3A_309, %mul3A_310 : i32
      %add3A_312 = arith.constant 704 : i32
      %add3A_313 = arith.addi %add3A_312, %mul3A_311 : i32
      %broadcast_in_dim3A_314 = vector.broadcast %add3A_313 : i32 to vector<16xi32>
      %add3A_315 = arith.addi %broadcast_in_dim3A_314, %iota3A : vector<16xi32>
      %dma_start3A_316 = arith.constant 0 : i32
      %dma_start3A_317 = arith.constant 0 : i32
      %dma_start3A_318 = tpu.memref_slice %arg17[%dma_start3A_316, %dma_start3A_317] : memref<1408x128xf32, #tpu.memory_space<vmem_shared>> -> memref<1408x128xf32, #tpu.memory_space<vmem_shared>>
      tpu.enqueue_indirect_dma source(%arg15 : memref<16x128xf32, #tpu.memory_space<vmem>>) target(%dma_start3A_318 : memref<1408x128xf32, #tpu.memory_space<vmem_shared>>) offsets(%add3A_315 : vector<16xi32>) semaphore(%arg21 : memref<!tpu.dma_semaphore, #tpu.memory_space<semaphore_mem>>) {add = true}
    }
    %while3A_152 = arith.constant 1 : i32
    scf.for %while3A_228 = %while3A_150 to %while3A_146 step %while3A_152  : i32 {
      %mul3A_229 = arith.muli %while3A_228, %while3A : i32
      %add3A_230 = arith.addi %while3A_143, %mul3A_229 : i32
      %mul3A_231 = arith.constant 2 : i32
      %mul3A_232 = arith.muli %add3A_230, %mul3A_231 : i32
      %add3A_233 = arith.constant 1 : i32
      %add3A_234 = arith.addi %mul3A_232, %add3A_233 : i32
      %mul3A_235 = arith.constant 128 : i32
      %mul3A_236 = arith.muli %add3A_234, %mul3A_235 : i32
      %add3A_237 = arith.addi %mul3A_0, %mul3A_236 : i32
      %mul3A_238 = arith.constant 128 : i32
      %mul3A_239 = arith.muli %arg1, %mul3A_238 : i32
      %dma_start3A_240 = tpu.memref_slice %arg3[%add3A_237, %mul3A_239] : memref<10000x2048xi32, #tpu.memory_space<hbm>> -> memref<128x128xi32, #tpu.memory_space<hbm>>
      %dma_start3A_241 = tpu.memref_slice %arg3[%add3A_237, %mul3A_239] : memref<10000x2048xi32, #tpu.memory_space<hbm>> -> memref<128x128xi32, #tpu.memory_space<hbm>>
      tpu.enqueue_dma source(%dma_start3A_241 : memref<128x128xi32, #tpu.memory_space<hbm>>) target(%arg9 : memref<128x128xi32, #tpu.memory_space<vmem>>) target_semaphore(%arg19 : memref<!tpu.dma_semaphore, #tpu.memory_space<semaphore_mem>>)
      %dma_wait3A_242 = arith.constant 0 : i32
      %dma_wait3A_243 = arith.constant 0 : i32
      %dma_wait3A_244 = tpu.memref_slice %arg3[%dma_wait3A_242, %dma_wait3A_243] : memref<10000x2048xi32, #tpu.memory_space<hbm>> -> memref<128x128xi32, #tpu.memory_space<hbm>>
      %dma_wait3A_245 = arith.constant 0 : i32
      %dma_wait3A_246 = arith.constant 0 : i32
      %dma_wait3A_247 = tpu.memref_slice %arg3[%dma_wait3A_245, %dma_wait3A_246] : memref<10000x2048xi32, #tpu.memory_space<hbm>> -> memref<128x128xi32, #tpu.memory_space<hbm>>
      tpu.wait_dma2 semaphore(%arg18 : memref<!tpu.dma_semaphore, #tpu.memory_space<semaphore_mem>>) src(%dma_wait3A_247 : memref<128x128xi32, #tpu.memory_space<hbm>>) dst(%arg8 : memref<128x128xi32, #tpu.memory_space<vmem>>)
      %gt3A = arith.constant 0 : i32
      %gt3A_248 = arith.cmpi sgt, %add3A_230, %gt3A : i32
      %convert_element_type3A_249 = arith.extui %gt3A_248 : i1 to i32
      %cond3A_250 = arith.constant 0 : i32
      %cond3A_251 = arith.cmpi ne, %convert_element_type3A_249, %cond3A_250 : i32
      scf.if %cond3A_251 {
        %dma_wait3A_319 = arith.constant 0 : i32
        %dma_wait3A_320 = arith.constant 0 : i32
        %dma_wait3A_321 = tpu.memref_slice %arg17[%dma_wait3A_319, %dma_wait3A_320] : memref<1408x128xf32, #tpu.memory_space<vmem_shared>> -> memref<1408x128xf32, #tpu.memory_space<vmem_shared>>
        tpu.wait_indirect_dma semaphore(%arg20 : memref<!tpu.dma_semaphore, #tpu.memory_space<semaphore_mem>>) src(%arg12 : memref<16x128xf32, #tpu.memory_space<vmem>>) dst(%dma_wait3A_321 : memref<1408x128xf32, #tpu.memory_space<vmem_shared>>)
        %dma_wait3A_322 = arith.constant 0 : i32
        %dma_wait3A_323 = arith.constant 0 : i32
        %dma_wait3A_324 = tpu.memref_slice %arg17[%dma_wait3A_322, %dma_wait3A_323] : memref<1408x128xf32, #tpu.memory_space<vmem_shared>> -> memref<1408x128xf32, #tpu.memory_space<vmem_shared>>
        tpu.wait_indirect_dma semaphore(%arg20 : memref<!tpu.dma_semaphore, #tpu.memory_space<semaphore_mem>>) src(%arg13 : memref<16x128xf32, #tpu.memory_space<vmem>>) dst(%dma_wait3A_324 : memref<1408x128xf32, #tpu.memory_space<vmem_shared>>)
      } else {
      }
      %scan3A_252 = arith.constant 0 : i32
      %scan3A_253 = arith.constant 128 : i32
      %scan3A_254 = arith.addi %scan3A_252, %scan3A_253 : i32
      %scan3A_255 = arith.constant 1 : i32
      scf.for %scan3A_319 = %scan3A_252 to %scan3A_254 step %scan3A_255  : i32 {
        %mul3A_320 = arith.constant 1 : i32
        %mul3A_321 = arith.muli %scan3A_319, %mul3A_320 : i32
        %add3A_322 = arith.constant 0 : i32
        %add3A_323 = arith.addi %add3A_322, %mul3A_321 : i32
        %broadcast_in_dim3A_324 = vector.broadcast %add3A_323 : i32 to vector<16xi32>
        %gather3A = tpu.vector_load_idx %arg8[%broadcast_in_dim3A_324, %add3A_80] : memref<128x128xi32, #tpu.memory_space<vmem>>[vector<16xi32>, vector<16xi32>], vector<16xi32>,
        %gather3A_325 = tpu.vector_load_idx %arg7[%gather3A] : memref<10240xi32, #tpu.memory_space<vmem>>[vector<16xi32>], vector<16xi32>,
        %gather3A_326 = tpu.vector_load_idx %arg8[%broadcast_in_dim3A_324, %add3A_86] : memref<128x128xi32, #tpu.memory_space<vmem>>[vector<16xi32>, vector<16xi32>], vector<16xi32>,
        %gather3A_327 = tpu.vector_load_idx %arg7[%gather3A_326] : memref<10240xi32, #tpu.memory_space<vmem>>[vector<16xi32>], vector<16xi32>,
        %gather3A_328 = tpu.vector_load_idx %arg8[%broadcast_in_dim3A_324, %add3A_92] : memref<128x128xi32, #tpu.memory_space<vmem>>[vector<16xi32>, vector<16xi32>], vector<16xi32>,
        %gather3A_329 = tpu.vector_load_idx %arg7[%gather3A_328] : memref<10240xi32, #tpu.memory_space<vmem>>[vector<16xi32>], vector<16xi32>,
        %gather3A_330 = tpu.vector_load_idx %arg8[%broadcast_in_dim3A_324, %add3A_98] : memref<128x128xi32, #tpu.memory_space<vmem>>[vector<16xi32>, vector<16xi32>], vector<16xi32>,
        %gather3A_331 = tpu.vector_load_idx %arg7[%gather3A_330] : memref<10240xi32, #tpu.memory_space<vmem>>[vector<16xi32>], vector<16xi32>,
        %gather3A_332 = tpu.vector_load_idx %arg8[%broadcast_in_dim3A_324, %add3A_104] : memref<128x128xi32, #tpu.memory_space<vmem>>[vector<16xi32>, vector<16xi32>], vector<16xi32>,
        %gather3A_333 = tpu.vector_load_idx %arg7[%gather3A_332] : memref<10240xi32, #tpu.memory_space<vmem>>[vector<16xi32>], vector<16xi32>,
        %gather3A_334 = tpu.vector_load_idx %arg8[%broadcast_in_dim3A_324, %add3A_110] : memref<128x128xi32, #tpu.memory_space<vmem>>[vector<16xi32>, vector<16xi32>], vector<16xi32>,
        %gather3A_335 = tpu.vector_load_idx %arg7[%gather3A_334] : memref<10240xi32, #tpu.memory_space<vmem>>[vector<16xi32>], vector<16xi32>,
        %gather3A_336 = tpu.vector_load_idx %arg8[%broadcast_in_dim3A_324, %add3A_116] : memref<128x128xi32, #tpu.memory_space<vmem>>[vector<16xi32>, vector<16xi32>], vector<16xi32>,
        %gather3A_337 = tpu.vector_load_idx %arg7[%gather3A_336] : memref<10240xi32, #tpu.memory_space<vmem>>[vector<16xi32>], vector<16xi32>,
        %gather3A_338 = tpu.vector_load_idx %arg8[%broadcast_in_dim3A_324, %add3A_122] : memref<128x128xi32, #tpu.memory_space<vmem>>[vector<16xi32>, vector<16xi32>], vector<16xi32>,
        %gather3A_339 = tpu.vector_load_idx %arg7[%gather3A_338] : memref<10240xi32, #tpu.memory_space<vmem>>[vector<16xi32>], vector<16xi32>,
        %bitcast3A = vector.bitcast %gather3A_325 : vector<16xi32> to vector<16xf32>
        %mul3A_340 = arith.mulf %get3A_33, %bitcast3A : vector<16xf32>
        %bitcast3A_341 = vector.bitcast %gather3A_327 : vector<16xi32> to vector<16xf32>
        %mul3A_342 = arith.mulf %get3A_39, %bitcast3A_341 : vector<16xf32>
        %bitcast3A_343 = vector.bitcast %gather3A_329 : vector<16xi32> to vector<16xf32>
        %mul3A_344 = arith.mulf %get3A_45, %bitcast3A_343 : vector<16xf32>
        %bitcast3A_345 = vector.bitcast %gather3A_331 : vector<16xi32> to vector<16xf32>
        %mul3A_346 = arith.mulf %get3A_51, %bitcast3A_345 : vector<16xf32>
        %bitcast3A_347 = vector.bitcast %gather3A_333 : vector<16xi32> to vector<16xf32>
        %mul3A_348 = arith.mulf %get3A_57, %bitcast3A_347 : vector<16xf32>
        %bitcast3A_349 = vector.bitcast %gather3A_335 : vector<16xi32> to vector<16xf32>
        %mul3A_350 = arith.mulf %get3A_63, %bitcast3A_349 : vector<16xf32>
        %bitcast3A_351 = vector.bitcast %gather3A_337 : vector<16xi32> to vector<16xf32>
        %mul3A_352 = arith.mulf %get3A_69, %bitcast3A_351 : vector<16xf32>
        %bitcast3A_353 = vector.bitcast %gather3A_339 : vector<16xi32> to vector<16xf32>
        %mul3A_354 = arith.mulf %get3A_75, %bitcast3A_353 : vector<16xf32>
        %shift_left3A = arith.constant 16 : i32
        %shift_left3A_355 = vector.broadcast %shift_left3A : i32 to vector<16xi32>
        %shift_left3A_356 = arith.shli %gather3A_325, %shift_left3A_355 : vector<16xi32>
        %bitcast3A_357 = vector.bitcast %shift_left3A_356 : vector<16xi32> to vector<16xf32>
        %mul3A_358 = arith.mulf %get3A_33, %bitcast3A_357 : vector<16xf32>
        %shift_left3A_359 = arith.constant 16 : i32
        %shift_left3A_360 = vector.broadcast %shift_left3A_359 : i32 to vector<16xi32>
        %shift_left3A_361 = arith.shli %gather3A_327, %shift_left3A_360 : vector<16xi32>
        %bitcast3A_362 = vector.bitcast %shift_left3A_361 : vector<16xi32> to vector<16xf32>
        %mul3A_363 = arith.mulf %get3A_39, %bitcast3A_362 : vector<16xf32>
        %shift_left3A_364 = arith.constant 16 : i32
        %shift_left3A_365 = vector.broadcast %shift_left3A_364 : i32 to vector<16xi32>
        %shift_left3A_366 = arith.shli %gather3A_329, %shift_left3A_365 : vector<16xi32>
        %bitcast3A_367 = vector.bitcast %shift_left3A_366 : vector<16xi32> to vector<16xf32>
        %mul3A_368 = arith.mulf %get3A_45, %bitcast3A_367 : vector<16xf32>
        %shift_left3A_369 = arith.constant 16 : i32
        %shift_left3A_370 = vector.broadcast %shift_left3A_369 : i32 to vector<16xi32>
        %shift_left3A_371 = arith.shli %gather3A_331, %shift_left3A_370 : vector<16xi32>
        %bitcast3A_372 = vector.bitcast %shift_left3A_371 : vector<16xi32> to vector<16xf32>
        %mul3A_373 = arith.mulf %get3A_51, %bitcast3A_372 : vector<16xf32>
        %shift_left3A_374 = arith.constant 16 : i32
        %shift_left3A_375 = vector.broadcast %shift_left3A_374 : i32 to vector<16xi32>
        %shift_left3A_376 = arith.shli %gather3A_333, %shift_left3A_375 : vector<16xi32>
        %bitcast3A_377 = vector.bitcast %shift_left3A_376 : vector<16xi32> to vector<16xf32>
        %mul3A_378 = arith.mulf %get3A_57, %bitcast3A_377 : vector<16xf32>
        %shift_left3A_379 = arith.constant 16 : i32
        %shift_left3A_380 = vector.broadcast %shift_left3A_379 : i32 to vector<16xi32>
        %shift_left3A_381 = arith.shli %gather3A_335, %shift_left3A_380 : vector<16xi32>
        %bitcast3A_382 = vector.bitcast %shift_left3A_381 : vector<16xi32> to vector<16xf32>
        %mul3A_383 = arith.mulf %get3A_63, %bitcast3A_382 : vector<16xf32>
        %shift_left3A_384 = arith.constant 16 : i32
        %shift_left3A_385 = vector.broadcast %shift_left3A_384 : i32 to vector<16xi32>
        %shift_left3A_386 = arith.shli %gather3A_337, %shift_left3A_385 : vector<16xi32>
        %bitcast3A_387 = vector.bitcast %shift_left3A_386 : vector<16xi32> to vector<16xf32>
        %mul3A_388 = arith.mulf %get3A_69, %bitcast3A_387 : vector<16xf32>
        %shift_left3A_389 = arith.constant 16 : i32
        %shift_left3A_390 = vector.broadcast %shift_left3A_389 : i32 to vector<16xi32>
        %shift_left3A_391 = arith.shli %gather3A_339, %shift_left3A_390 : vector<16xi32>
        %bitcast3A_392 = vector.bitcast %shift_left3A_391 : vector<16xi32> to vector<16xf32>
        %mul3A_393 = arith.mulf %get3A_75, %bitcast3A_392 : vector<16xf32>
        %shift_right_arithmetic3A = arith.constant 3 : i32
        %shift_right_arithmetic3A_394 = arith.shrsi %add3A_323, %shift_right_arithmetic3A : i32
        %and3A_395 = arith.constant 7 : i32
        %and3A_396 = arith.andi %add3A_323, %and3A_395 : i32
        %mul3A_397 = arith.constant 16 : i32
        %mul3A_398 = arith.muli %and3A_396, %mul3A_397 : i32
        %add3A_399 = arith.addf %mul3A_340, %mul3A_342 : vector<16xf32>
        %add3A_400 = arith.addf %mul3A_344, %mul3A_346 : vector<16xf32>
        %add3A_401 = arith.addf %add3A_399, %add3A_400 : vector<16xf32>
        %add3A_402 = arith.addf %mul3A_348, %mul3A_350 : vector<16xf32>
        %add3A_403 = arith.addf %mul3A_352, %mul3A_354 : vector<16xf32>
        %add3A_404 = arith.addf %add3A_402, %add3A_403 : vector<16xf32>
        %add3A_405 = arith.addf %add3A_401, %add3A_404 : vector<16xf32>
        %add3A_406 = arith.addf %add3A_405, %select_n3A_129 : vector<16xf32>
        %swap3A = arith.index_cast %shift_right_arithmetic3A_394 : i32 to index
        %swap3A_407 = arith.index_cast %mul3A_398 : i32 to index
        %swap3A_408 = tpu.vector_load %arg12[%swap3A, %swap3A_407] {strides = array<i32>} : memref<16x128xf32, #tpu.memory_space<vmem>>, vector<16xf32>,
        tpu.vector_store %arg12[%swap3A, %swap3A_407], %add3A_406 {strides = array<i32>} : memref<16x128xf32, #tpu.memory_space<vmem>>, vector<16xf32>,
        %add3A_409 = arith.addf %mul3A_358, %mul3A_363 : vector<16xf32>
        %add3A_410 = arith.addf %mul3A_368, %mul3A_373 : vector<16xf32>
        %add3A_411 = arith.addf %add3A_409, %add3A_410 : vector<16xf32>
        %add3A_412 = arith.addf %mul3A_378, %mul3A_383 : vector<16xf32>
        %add3A_413 = arith.addf %mul3A_388, %mul3A_393 : vector<16xf32>
        %add3A_414 = arith.addf %add3A_412, %add3A_413 : vector<16xf32>
        %add3A_415 = arith.addf %add3A_411, %add3A_414 : vector<16xf32>
        %add3A_416 = arith.addf %add3A_415, %select_n3A_129 : vector<16xf32>
        %swap3A_417 = arith.index_cast %shift_right_arithmetic3A_394 : i32 to index
        %swap3A_418 = arith.index_cast %mul3A_398 : i32 to index
        %swap3A_419 = tpu.vector_load %arg13[%swap3A_417, %swap3A_418] {strides = array<i32>} : memref<16x128xf32, #tpu.memory_space<vmem>>, vector<16xf32>,
        tpu.vector_store %arg13[%swap3A_417, %swap3A_418], %add3A_416 {strides = array<i32>} : memref<16x128xf32, #tpu.memory_space<vmem>>, vector<16xf32>,
      }
      %scan3A_256 = arith.constant 128 : i32
      %mul3A_257 = arith.constant 16 : i32
      %mul3A_258 = arith.muli %mul3A_232, %mul3A_257 : i32
      %add3A_259 = arith.constant 0 : i32
      %add3A_260 = arith.addi %add3A_259, %mul3A_258 : i32
      %broadcast_in_dim3A_261 = vector.broadcast %add3A_260 : i32 to vector<16xi32>
      %add3A_262 = arith.addi %broadcast_in_dim3A_261, %iota3A : vector<16xi32>
      %dma_start3A_263 = arith.constant 0 : i32
      %dma_start3A_264 = arith.constant 0 : i32
      %dma_start3A_265 = tpu.memref_slice %arg17[%dma_start3A_263, %dma_start3A_264] : memref<1408x128xf32, #tpu.memory_space<vmem_shared>> -> memref<1408x128xf32, #tpu.memory_space<vmem_shared>>
      tpu.enqueue_indirect_dma source(%arg12 : memref<16x128xf32, #tpu.memory_space<vmem>>) target(%dma_start3A_265 : memref<1408x128xf32, #tpu.memory_space<vmem_shared>>) offsets(%add3A_262 : vector<16xi32>) semaphore(%arg20 : memref<!tpu.dma_semaphore, #tpu.memory_space<semaphore_mem>>) {add = true}
      %mul3A_266 = arith.constant 16 : i32
      %mul3A_267 = arith.muli %mul3A_232, %mul3A_266 : i32
      %add3A_268 = arith.constant 704 : i32
      %add3A_269 = arith.addi %add3A_268, %mul3A_267 : i32
      %broadcast_in_dim3A_270 = vector.broadcast %add3A_269 : i32 to vector<16xi32>
      %add3A_271 = arith.addi %broadcast_in_dim3A_270, %iota3A : vector<16xi32>
      %dma_start3A_272 = arith.constant 0 : i32
      %dma_start3A_273 = arith.constant 0 : i32
      %dma_start3A_274 = tpu.memref_slice %arg17[%dma_start3A_272, %dma_start3A_273] : memref<1408x128xf32, #tpu.memory_space<vmem_shared>> -> memref<1408x128xf32, #tpu.memory_space<vmem_shared>>
      tpu.enqueue_indirect_dma source(%arg13 : memref<16x128xf32, #tpu.memory_space<vmem>>) target(%dma_start3A_274 : memref<1408x128xf32, #tpu.memory_space<vmem_shared>>) offsets(%add3A_271 : vector<16xi32>) semaphore(%arg20 : memref<!tpu.dma_semaphore, #tpu.memory_space<semaphore_mem>>) {add = true}
      %add3A_275 = arith.constant 2 : i32
      %add3A_276 = arith.addi %mul3A_232, %add3A_275 : i32
      %lt3A_277 = arith.cmpi slt, %add3A_276, %select_n3A : i32
      %convert_element_type3A_278 = arith.extui %lt3A_277 : i1 to i32
      %cond3A_279 = arith.constant 0 : i32
      %cond3A_280 = arith.cmpi ne, %convert_element_type3A_278, %cond3A_279 : i32
      scf.if %cond3A_280 {
        %add3A_319 = arith.constant 2 : i32
        %add3A_320 = arith.addi %mul3A_232, %add3A_319 : i32
        %mul3A_321 = arith.constant 128 : i32
        %mul3A_322 = arith.muli %add3A_320, %mul3A_321 : i32
        %add3A_323 = arith.addi %mul3A_0, %mul3A_322 : i32
        %mul3A_324 = arith.constant 128 : i32
        %mul3A_325 = arith.muli %arg1, %mul3A_324 : i32
        %dma_start3A_326 = tpu.memref_slice %arg3[%add3A_323, %mul3A_325] : memref<10000x2048xi32, #tpu.memory_space<hbm>> -> memref<128x128xi32, #tpu.memory_space<hbm>>
        %dma_start3A_327 = tpu.memref_slice %arg3[%add3A_323, %mul3A_325] : memref<10000x2048xi32, #tpu.memory_space<hbm>> -> memref<128x128xi32, #tpu.memory_space<hbm>>
        tpu.enqueue_dma source(%dma_start3A_327 : memref<128x128xi32, #tpu.memory_space<hbm>>) target(%arg8 : memref<128x128xi32, #tpu.memory_space<vmem>>) target_semaphore(%arg18 : memref<!tpu.dma_semaphore, #tpu.memory_space<semaphore_mem>>)
      } else {
      }
      %dma_wait3A_281 = arith.constant 0 : i32
      %dma_wait3A_282 = arith.constant 0 : i32
      %dma_wait3A_283 = tpu.memref_slice %arg3[%dma_wait3A_281, %dma_wait3A_282] : memref<10000x2048xi32, #tpu.memory_space<hbm>> -> memref<128x128xi32, #tpu.memory_space<hbm>>
      %dma_wait3A_284 = arith.constant 0 : i32
      %dma_wait3A_285 = arith.constant 0 : i32
      %dma_wait3A_286 = tpu.memref_slice %arg3[%dma_wait3A_284, %dma_wait3A_285] : memref<10000x2048xi32, #tpu.memory_space<hbm>> -> memref<128x128xi32, #tpu.memory_space<hbm>>
      tpu.wait_dma2 semaphore(%arg19 : memref<!tpu.dma_semaphore, #tpu.memory_space<semaphore_mem>>) src(%dma_wait3A_286 : memref<128x128xi32, #tpu.memory_space<hbm>>) dst(%arg9 : memref<128x128xi32, #tpu.memory_space<vmem>>)
      %gt3A_287 = arith.constant 0 : i32
      %gt3A_288 = arith.cmpi sgt, %add3A_230, %gt3A_287 : i32
      %convert_element_type3A_289 = arith.extui %gt3A_288 : i1 to i32
      %cond3A_290 = arith.constant 0 : i32
      %cond3A_291 = arith.cmpi ne, %convert_element_type3A_289, %cond3A_290 : i32
      scf.if %cond3A_291 {
        %dma_wait3A_319 = arith.constant 0 : i32
        %dma_wait3A_320 = arith.constant 0 : i32
        %dma_wait3A_321 = tpu.memref_slice %arg17[%dma_wait3A_319, %dma_wait3A_320] : memref<1408x128xf32, #tpu.memory_space<vmem_shared>> -> memref<1408x128xf32, #tpu.memory_space<vmem_shared>>
        tpu.wait_indirect_dma semaphore(%arg21 : memref<!tpu.dma_semaphore, #tpu.memory_space<semaphore_mem>>) src(%arg14 : memref<16x128xf32, #tpu.memory_space<vmem>>) dst(%dma_wait3A_321 : memref<1408x128xf32, #tpu.memory_space<vmem_shared>>)
        %dma_wait3A_322 = arith.constant 0 : i32
        %dma_wait3A_323 = arith.constant 0 : i32
        %dma_wait3A_324 = tpu.memref_slice %arg17[%dma_wait3A_322, %dma_wait3A_323] : memref<1408x128xf32, #tpu.memory_space<vmem_shared>> -> memref<1408x128xf32, #tpu.memory_space<vmem_shared>>
        tpu.wait_indirect_dma semaphore(%arg21 : memref<!tpu.dma_semaphore, #tpu.memory_space<semaphore_mem>>) src(%arg15 : memref<16x128xf32, #tpu.memory_space<vmem>>) dst(%dma_wait3A_324 : memref<1408x128xf32, #tpu.memory_space<vmem_shared>>)
      } else {
      }
      %scan3A_292 = arith.constant 0 : i32
      %scan3A_293 = arith.constant 128 : i32
      %scan3A_294 = arith.addi %scan3A_292, %scan3A_293 : i32
      %scan3A_295 = arith.constant 1 : i32
      scf.for %scan3A_319 = %scan3A_292 to %scan3A_294 step %scan3A_295  : i32 {
        %mul3A_320 = arith.constant 1 : i32
        %mul3A_321 = arith.muli %scan3A_319, %mul3A_320 : i32
        %add3A_322 = arith.constant 0 : i32
        %add3A_323 = arith.addi %add3A_322, %mul3A_321 : i32
        %broadcast_in_dim3A_324 = vector.broadcast %add3A_323 : i32 to vector<16xi32>
        %gather3A = tpu.vector_load_idx %arg9[%broadcast_in_dim3A_324, %add3A_80] : memref<128x128xi32, #tpu.memory_space<vmem>>[vector<16xi32>, vector<16xi32>], vector<16xi32>,
        %gather3A_325 = tpu.vector_load_idx %arg7[%gather3A] : memref<10240xi32, #tpu.memory_space<vmem>>[vector<16xi32>], vector<16xi32>,
        %gather3A_326 = tpu.vector_load_idx %arg9[%broadcast_in_dim3A_324, %add3A_86] : memref<128x128xi32, #tpu.memory_space<vmem>>[vector<16xi32>, vector<16xi32>], vector<16xi32>,
        %gather3A_327 = tpu.vector_load_idx %arg7[%gather3A_326] : memref<10240xi32, #tpu.memory_space<vmem>>[vector<16xi32>], vector<16xi32>,
        %gather3A_328 = tpu.vector_load_idx %arg9[%broadcast_in_dim3A_324, %add3A_92] : memref<128x128xi32, #tpu.memory_space<vmem>>[vector<16xi32>, vector<16xi32>], vector<16xi32>,
        %gather3A_329 = tpu.vector_load_idx %arg7[%gather3A_328] : memref<10240xi32, #tpu.memory_space<vmem>>[vector<16xi32>], vector<16xi32>,
        %gather3A_330 = tpu.vector_load_idx %arg9[%broadcast_in_dim3A_324, %add3A_98] : memref<128x128xi32, #tpu.memory_space<vmem>>[vector<16xi32>, vector<16xi32>], vector<16xi32>,
        %gather3A_331 = tpu.vector_load_idx %arg7[%gather3A_330] : memref<10240xi32, #tpu.memory_space<vmem>>[vector<16xi32>], vector<16xi32>,
        %gather3A_332 = tpu.vector_load_idx %arg9[%broadcast_in_dim3A_324, %add3A_104] : memref<128x128xi32, #tpu.memory_space<vmem>>[vector<16xi32>, vector<16xi32>], vector<16xi32>,
        %gather3A_333 = tpu.vector_load_idx %arg7[%gather3A_332] : memref<10240xi32, #tpu.memory_space<vmem>>[vector<16xi32>], vector<16xi32>,
        %gather3A_334 = tpu.vector_load_idx %arg9[%broadcast_in_dim3A_324, %add3A_110] : memref<128x128xi32, #tpu.memory_space<vmem>>[vector<16xi32>, vector<16xi32>], vector<16xi32>,
        %gather3A_335 = tpu.vector_load_idx %arg7[%gather3A_334] : memref<10240xi32, #tpu.memory_space<vmem>>[vector<16xi32>], vector<16xi32>,
        %gather3A_336 = tpu.vector_load_idx %arg9[%broadcast_in_dim3A_324, %add3A_116] : memref<128x128xi32, #tpu.memory_space<vmem>>[vector<16xi32>, vector<16xi32>], vector<16xi32>,
        %gather3A_337 = tpu.vector_load_idx %arg7[%gather3A_336] : memref<10240xi32, #tpu.memory_space<vmem>>[vector<16xi32>], vector<16xi32>,
        %gather3A_338 = tpu.vector_load_idx %arg9[%broadcast_in_dim3A_324, %add3A_122] : memref<128x128xi32, #tpu.memory_space<vmem>>[vector<16xi32>, vector<16xi32>], vector<16xi32>,
        %gather3A_339 = tpu.vector_load_idx %arg7[%gather3A_338] : memref<10240xi32, #tpu.memory_space<vmem>>[vector<16xi32>], vector<16xi32>,
        %bitcast3A = vector.bitcast %gather3A_325 : vector<16xi32> to vector<16xf32>
        %mul3A_340 = arith.mulf %get3A_33, %bitcast3A : vector<16xf32>
        %bitcast3A_341 = vector.bitcast %gather3A_327 : vector<16xi32> to vector<16xf32>
        %mul3A_342 = arith.mulf %get3A_39, %bitcast3A_341 : vector<16xf32>
        %bitcast3A_343 = vector.bitcast %gather3A_329 : vector<16xi32> to vector<16xf32>
        %mul3A_344 = arith.mulf %get3A_45, %bitcast3A_343 : vector<16xf32>
        %bitcast3A_345 = vector.bitcast %gather3A_331 : vector<16xi32> to vector<16xf32>
        %mul3A_346 = arith.mulf %get3A_51, %bitcast3A_345 : vector<16xf32>
        %bitcast3A_347 = vector.bitcast %gather3A_333 : vector<16xi32> to vector<16xf32>
        %mul3A_348 = arith.mulf %get3A_57, %bitcast3A_347 : vector<16xf32>
        %bitcast3A_349 = vector.bitcast %gather3A_335 : vector<16xi32> to vector<16xf32>
        %mul3A_350 = arith.mulf %get3A_63, %bitcast3A_349 : vector<16xf32>
        %bitcast3A_351 = vector.bitcast %gather3A_337 : vector<16xi32> to vector<16xf32>
        %mul3A_352 = arith.mulf %get3A_69, %bitcast3A_351 : vector<16xf32>
        %bitcast3A_353 = vector.bitcast %gather3A_339 : vector<16xi32> to vector<16xf32>
        %mul3A_354 = arith.mulf %get3A_75, %bitcast3A_353 : vector<16xf32>
        %shift_left3A = arith.constant 16 : i32
        %shift_left3A_355 = vector.broadcast %shift_left3A : i32 to vector<16xi32>
        %shift_left3A_356 = arith.shli %gather3A_325, %shift_left3A_355 : vector<16xi32>
        %bitcast3A_357 = vector.bitcast %shift_left3A_356 : vector<16xi32> to vector<16xf32>
        %mul3A_358 = arith.mulf %get3A_33, %bitcast3A_357 : vector<16xf32>
        %shift_left3A_359 = arith.constant 16 : i32
        %shift_left3A_360 = vector.broadcast %shift_left3A_359 : i32 to vector<16xi32>
        %shift_left3A_361 = arith.shli %gather3A_327, %shift_left3A_360 : vector<16xi32>
        %bitcast3A_362 = vector.bitcast %shift_left3A_361 : vector<16xi32> to vector<16xf32>
        %mul3A_363 = arith.mulf %get3A_39, %bitcast3A_362 : vector<16xf32>
        %shift_left3A_364 = arith.constant 16 : i32
        %shift_left3A_365 = vector.broadcast %shift_left3A_364 : i32 to vector<16xi32>
        %shift_left3A_366 = arith.shli %gather3A_329, %shift_left3A_365 : vector<16xi32>
        %bitcast3A_367 = vector.bitcast %shift_left3A_366 : vector<16xi32> to vector<16xf32>
        %mul3A_368 = arith.mulf %get3A_45, %bitcast3A_367 : vector<16xf32>
        %shift_left3A_369 = arith.constant 16 : i32
        %shift_left3A_370 = vector.broadcast %shift_left3A_369 : i32 to vector<16xi32>
        %shift_left3A_371 = arith.shli %gather3A_331, %shift_left3A_370 : vector<16xi32>
        %bitcast3A_372 = vector.bitcast %shift_left3A_371 : vector<16xi32> to vector<16xf32>
        %mul3A_373 = arith.mulf %get3A_51, %bitcast3A_372 : vector<16xf32>
        %shift_left3A_374 = arith.constant 16 : i32
        %shift_left3A_375 = vector.broadcast %shift_left3A_374 : i32 to vector<16xi32>
        %shift_left3A_376 = arith.shli %gather3A_333, %shift_left3A_375 : vector<16xi32>
        %bitcast3A_377 = vector.bitcast %shift_left3A_376 : vector<16xi32> to vector<16xf32>
        %mul3A_378 = arith.mulf %get3A_57, %bitcast3A_377 : vector<16xf32>
        %shift_left3A_379 = arith.constant 16 : i32
        %shift_left3A_380 = vector.broadcast %shift_left3A_379 : i32 to vector<16xi32>
        %shift_left3A_381 = arith.shli %gather3A_335, %shift_left3A_380 : vector<16xi32>
        %bitcast3A_382 = vector.bitcast %shift_left3A_381 : vector<16xi32> to vector<16xf32>
        %mul3A_383 = arith.mulf %get3A_63, %bitcast3A_382 : vector<16xf32>
        %shift_left3A_384 = arith.constant 16 : i32
        %shift_left3A_385 = vector.broadcast %shift_left3A_384 : i32 to vector<16xi32>
        %shift_left3A_386 = arith.shli %gather3A_337, %shift_left3A_385 : vector<16xi32>
        %bitcast3A_387 = vector.bitcast %shift_left3A_386 : vector<16xi32> to vector<16xf32>
        %mul3A_388 = arith.mulf %get3A_69, %bitcast3A_387 : vector<16xf32>
        %shift_left3A_389 = arith.constant 16 : i32
        %shift_left3A_390 = vector.broadcast %shift_left3A_389 : i32 to vector<16xi32>
        %shift_left3A_391 = arith.shli %gather3A_339, %shift_left3A_390 : vector<16xi32>
        %bitcast3A_392 = vector.bitcast %shift_left3A_391 : vector<16xi32> to vector<16xf32>
        %mul3A_393 = arith.mulf %get3A_75, %bitcast3A_392 : vector<16xf32>
        %shift_right_arithmetic3A = arith.constant 3 : i32
        %shift_right_arithmetic3A_394 = arith.shrsi %add3A_323, %shift_right_arithmetic3A : i32
        %and3A_395 = arith.constant 7 : i32
        %and3A_396 = arith.andi %add3A_323, %and3A_395 : i32
        %mul3A_397 = arith.constant 16 : i32
        %mul3A_398 = arith.muli %and3A_396, %mul3A_397 : i32
        %add3A_399 = arith.addf %mul3A_340, %mul3A_342 : vector<16xf32>
        %add3A_400 = arith.addf %mul3A_344, %mul3A_346 : vector<16xf32>
        %add3A_401 = arith.addf %add3A_399, %add3A_400 : vector<16xf32>
        %add3A_402 = arith.addf %mul3A_348, %mul3A_350 : vector<16xf32>
        %add3A_403 = arith.addf %mul3A_352, %mul3A_354 : vector<16xf32>
        %add3A_404 = arith.addf %add3A_402, %add3A_403 : vector<16xf32>
        %add3A_405 = arith.addf %add3A_401, %add3A_404 : vector<16xf32>
        %add3A_406 = arith.addf %add3A_405, %select_n3A_129 : vector<16xf32>
        %swap3A = arith.index_cast %shift_right_arithmetic3A_394 : i32 to index
        %swap3A_407 = arith.index_cast %mul3A_398 : i32 to index
        %swap3A_408 = tpu.vector_load %arg14[%swap3A, %swap3A_407] {strides = array<i32>} : memref<16x128xf32, #tpu.memory_space<vmem>>, vector<16xf32>,
        tpu.vector_store %arg14[%swap3A, %swap3A_407], %add3A_406 {strides = array<i32>} : memref<16x128xf32, #tpu.memory_space<vmem>>, vector<16xf32>,
        %add3A_409 = arith.addf %mul3A_358, %mul3A_363 : vector<16xf32>
        %add3A_410 = arith.addf %mul3A_368, %mul3A_373 : vector<16xf32>
        %add3A_411 = arith.addf %add3A_409, %add3A_410 : vector<16xf32>
        %add3A_412 = arith.addf %mul3A_378, %mul3A_383 : vector<16xf32>
        %add3A_413 = arith.addf %mul3A_388, %mul3A_393 : vector<16xf32>
        %add3A_414 = arith.addf %add3A_412, %add3A_413 : vector<16xf32>
        %add3A_415 = arith.addf %add3A_411, %add3A_414 : vector<16xf32>
        %add3A_416 = arith.addf %add3A_415, %select_n3A_129 : vector<16xf32>
        %swap3A_417 = arith.index_cast %shift_right_arithmetic3A_394 : i32 to index
        %swap3A_418 = arith.index_cast %mul3A_398 : i32 to index
        %swap3A_419 = tpu.vector_load %arg15[%swap3A_417, %swap3A_418] {strides = array<i32>} : memref<16x128xf32, #tpu.memory_space<vmem>>, vector<16xf32>,
        tpu.vector_store %arg15[%swap3A_417, %swap3A_418], %add3A_416 {strides = array<i32>} : memref<16x128xf32, #tpu.memory_space<vmem>>, vector<16xf32>,
      }
      %scan3A_296 = arith.constant 128 : i32
      %add3A_297 = arith.constant 1 : i32
      %add3A_298 = arith.addi %mul3A_232, %add3A_297 : i32
      %mul3A_299 = arith.constant 16 : i32
      %mul3A_300 = arith.muli %add3A_298, %mul3A_299 : i32
      %add3A_301 = arith.constant 0 : i32
      %add3A_302 = arith.addi %add3A_301, %mul3A_300 : i32
      %broadcast_in_dim3A_303 = vector.broadcast %add3A_302 : i32 to vector<16xi32>
      %add3A_304 = arith.addi %broadcast_in_dim3A_303, %iota3A : vector<16xi32>
      %dma_start3A_305 = arith.constant 0 : i32
      %dma_start3A_306 = arith.constant 0 : i32
      %dma_start3A_307 = tpu.memref_slice %arg17[%dma_start3A_305, %dma_start3A_306] : memref<1408x128xf32, #tpu.memory_space<vmem_shared>> -> memref<1408x128xf32, #tpu.memory_space<vmem_shared>>
      tpu.enqueue_indirect_dma source(%arg14 : memref<16x128xf32, #tpu.memory_space<vmem>>) target(%dma_start3A_307 : memref<1408x128xf32, #tpu.memory_space<vmem_shared>>) offsets(%add3A_304 : vector<16xi32>) semaphore(%arg21 : memref<!tpu.dma_semaphore, #tpu.memory_space<semaphore_mem>>) {add = true}
      %add3A_308 = arith.constant 1 : i32
      %add3A_309 = arith.addi %mul3A_232, %add3A_308 : i32
      %mul3A_310 = arith.constant 16 : i32
      %mul3A_311 = arith.muli %add3A_309, %mul3A_310 : i32
      %add3A_312 = arith.constant 704 : i32
      %add3A_313 = arith.addi %add3A_312, %mul3A_311 : i32
      %broadcast_in_dim3A_314 = vector.broadcast %add3A_313 : i32 to vector<16xi32>
      %add3A_315 = arith.addi %broadcast_in_dim3A_314, %iota3A : vector<16xi32>
      %dma_start3A_316 = arith.constant 0 : i32
      %dma_start3A_317 = arith.constant 0 : i32
      %dma_start3A_318 = tpu.memref_slice %arg17[%dma_start3A_316, %dma_start3A_317] : memref<1408x128xf32, #tpu.memory_space<vmem_shared>> -> memref<1408x128xf32, #tpu.memory_space<vmem_shared>>
      tpu.enqueue_indirect_dma source(%arg15 : memref<16x128xf32, #tpu.memory_space<vmem>>) target(%dma_start3A_318 : memref<1408x128xf32, #tpu.memory_space<vmem_shared>>) offsets(%add3A_315 : vector<16xi32>) semaphore(%arg21 : memref<!tpu.dma_semaphore, #tpu.memory_space<semaphore_mem>>) {add = true}
    }
    %dma_wait3A = arith.constant 0 : i32
    %dma_wait3A_153 = arith.constant 0 : i32
    %dma_wait3A_154 = tpu.memref_slice %arg17[%dma_wait3A, %dma_wait3A_153] : memref<1408x128xf32, #tpu.memory_space<vmem_shared>> -> memref<1408x128xf32, #tpu.memory_space<vmem_shared>>
    tpu.wait_indirect_dma semaphore(%arg20 : memref<!tpu.dma_semaphore, #tpu.memory_space<semaphore_mem>>) src(%arg12 : memref<16x128xf32, #tpu.memory_space<vmem>>) dst(%dma_wait3A_154 : memref<1408x128xf32, #tpu.memory_space<vmem_shared>>)
    %dma_wait3A_155 = arith.constant 0 : i32
    %dma_wait3A_156 = arith.constant 0 : i32
    %dma_wait3A_157 = tpu.memref_slice %arg17[%dma_wait3A_155, %dma_wait3A_156] : memref<1408x128xf32, #tpu.memory_space<vmem_shared>> -> memref<1408x128xf32, #tpu.memory_space<vmem_shared>>
    tpu.wait_indirect_dma semaphore(%arg20 : memref<!tpu.dma_semaphore, #tpu.memory_space<semaphore_mem>>) src(%arg13 : memref<16x128xf32, #tpu.memory_space<vmem>>) dst(%dma_wait3A_157 : memref<1408x128xf32, #tpu.memory_space<vmem_shared>>)
    %dma_wait3A_158 = arith.constant 0 : i32
    %dma_wait3A_159 = arith.constant 0 : i32
    %dma_wait3A_160 = tpu.memref_slice %arg17[%dma_wait3A_158, %dma_wait3A_159] : memref<1408x128xf32, #tpu.memory_space<vmem_shared>> -> memref<1408x128xf32, #tpu.memory_space<vmem_shared>>
    tpu.wait_indirect_dma semaphore(%arg21 : memref<!tpu.dma_semaphore, #tpu.memory_space<semaphore_mem>>) src(%arg14 : memref<16x128xf32, #tpu.memory_space<vmem>>) dst(%dma_wait3A_160 : memref<1408x128xf32, #tpu.memory_space<vmem_shared>>)
    %dma_wait3A_161 = arith.constant 0 : i32
    %dma_wait3A_162 = arith.constant 0 : i32
    %dma_wait3A_163 = tpu.memref_slice %arg17[%dma_wait3A_161, %dma_wait3A_162] : memref<1408x128xf32, #tpu.memory_space<vmem_shared>> -> memref<1408x128xf32, #tpu.memory_space<vmem_shared>>
    tpu.wait_indirect_dma semaphore(%arg21 : memref<!tpu.dma_semaphore, #tpu.memory_space<semaphore_mem>>) src(%arg15 : memref<16x128xf32, #tpu.memory_space<vmem>>) dst(%dma_wait3A_163 : memref<1408x128xf32, #tpu.memory_space<vmem_shared>>)
    %eq3A_164 = arith.constant 1 : i32
    %eq3A_165 = arith.cmpi eq, %arg0, %eq3A_164 : i32
    %convert_element_type3A = arith.extui %eq3A_165 : i1 to i32
    %cond3A = arith.constant 0 : i32
    %cond3A_166 = arith.cmpi ne, %convert_element_type3A, %cond3A : i32
    scf.if %cond3A_166 {
      %add3A_228 = arith.constant 4864 : i32
      %add3A_229 = arith.addi %mul3A_0, %add3A_228 : i32
      %mul3A_230 = arith.constant 128 : i32
      %mul3A_231 = arith.muli %arg1, %mul3A_230 : i32
      "tpu.region"() ({
        %run_scoped3A = tpu.sem_alloc : memref<!tpu.dma_semaphore, #tpu.memory_space<semaphore_mem>>
        %dma_start3A_255 = arith.constant 0 : i32
        %dma_start3A_256 = arith.constant 0 : i32
        %dma_start3A_257 = tpu.memref_slice %arg8[%dma_start3A_255, %dma_start3A_256] : memref<128x128xi32, #tpu.memory_space<vmem>> -> memref<16x128xi32, #tpu.memory_space<vmem>>
        %dma_start3A_258 = tpu.memref_slice %arg3[%add3A_229, %mul3A_231] : memref<10000x2048xi32, #tpu.memory_space<hbm>> -> memref<16x128xi32, #tpu.memory_space<hbm>>
        %dma_start3A_259 = arith.constant 0 : i32
        %dma_start3A_260 = arith.constant 0 : i32
        %dma_start3A_261 = tpu.memref_slice %arg8[%dma_start3A_259, %dma_start3A_260] : memref<128x128xi32, #tpu.memory_space<vmem>> -> memref<16x128xi32, #tpu.memory_space<vmem>>
        %dma_start3A_262 = tpu.memref_slice %arg3[%add3A_229, %mul3A_231] : memref<10000x2048xi32, #tpu.memory_space<hbm>> -> memref<16x128xi32, #tpu.memory_space<hbm>>
        tpu.enqueue_dma source(%dma_start3A_262 : memref<16x128xi32, #tpu.memory_space<hbm>>) target(%dma_start3A_261 : memref<16x128xi32, #tpu.memory_space<vmem>>) target_semaphore(%run_scoped3A : memref<!tpu.dma_semaphore, #tpu.memory_space<semaphore_mem>>)
        %dma_wait3A_263 = arith.constant 0 : i32
        %dma_wait3A_264 = arith.constant 0 : i32
        %dma_wait3A_265 = tpu.memref_slice %arg8[%dma_wait3A_263, %dma_wait3A_264] : memref<128x128xi32, #tpu.memory_space<vmem>> -> memref<16x128xi32, #tpu.memory_space<vmem>>
        %dma_wait3A_266 = tpu.memref_slice %arg3[%add3A_229, %mul3A_231] : memref<10000x2048xi32, #tpu.memory_space<hbm>> -> memref<16x128xi32, #tpu.memory_space<hbm>>
        %dma_wait3A_267 = arith.constant 0 : i32
        %dma_wait3A_268 = arith.constant 0 : i32
        %dma_wait3A_269 = tpu.memref_slice %arg8[%dma_wait3A_267, %dma_wait3A_268] : memref<128x128xi32, #tpu.memory_space<vmem>> -> memref<16x128xi32, #tpu.memory_space<vmem>>
        %dma_wait3A_270 = tpu.memref_slice %arg3[%add3A_229, %mul3A_231] : memref<10000x2048xi32, #tpu.memory_space<hbm>> -> memref<16x128xi32, #tpu.memory_space<hbm>>
        tpu.wait_dma2 semaphore(%run_scoped3A : memref<!tpu.dma_semaphore, #tpu.memory_space<semaphore_mem>>) src(%dma_wait3A_270 : memref<16x128xi32, #tpu.memory_space<hbm>>) dst(%dma_wait3A_269 : memref<16x128xi32, #tpu.memory_space<vmem>>)
        tpu.yield
      }) : () -> ()
      %scan3A_232 = arith.constant 0 : i32
      %scan3A_233 = arith.constant 16 : i32
      %scan3A_234 = arith.addi %scan3A_232, %scan3A_233 : i32
      %scan3A_235 = arith.constant 1 : i32
      scf.for %scan3A_255 = %scan3A_232 to %scan3A_234 step %scan3A_235  : i32 {
        %mul3A_256 = arith.constant 1 : i32
        %mul3A_257 = arith.muli %scan3A_255, %mul3A_256 : i32
        %add3A_258 = arith.constant 0 : i32
        %add3A_259 = arith.addi %add3A_258, %mul3A_257 : i32
        %broadcast_in_dim3A_260 = vector.broadcast %add3A_259 : i32 to vector<16xi32>
        %gather3A = tpu.vector_load_idx %arg8[%broadcast_in_dim3A_260, %add3A_80] : memref<128x128xi32, #tpu.memory_space<vmem>>[vector<16xi32>, vector<16xi32>], vector<16xi32>,
        %gather3A_261 = tpu.vector_load_idx %arg7[%gather3A] : memref<10240xi32, #tpu.memory_space<vmem>>[vector<16xi32>], vector<16xi32>,
        %gather3A_262 = tpu.vector_load_idx %arg8[%broadcast_in_dim3A_260, %add3A_86] : memref<128x128xi32, #tpu.memory_space<vmem>>[vector<16xi32>, vector<16xi32>], vector<16xi32>,
        %gather3A_263 = tpu.vector_load_idx %arg7[%gather3A_262] : memref<10240xi32, #tpu.memory_space<vmem>>[vector<16xi32>], vector<16xi32>,
        %gather3A_264 = tpu.vector_load_idx %arg8[%broadcast_in_dim3A_260, %add3A_92] : memref<128x128xi32, #tpu.memory_space<vmem>>[vector<16xi32>, vector<16xi32>], vector<16xi32>,
        %gather3A_265 = tpu.vector_load_idx %arg7[%gather3A_264] : memref<10240xi32, #tpu.memory_space<vmem>>[vector<16xi32>], vector<16xi32>,
        %gather3A_266 = tpu.vector_load_idx %arg8[%broadcast_in_dim3A_260, %add3A_98] : memref<128x128xi32, #tpu.memory_space<vmem>>[vector<16xi32>, vector<16xi32>], vector<16xi32>,
        %gather3A_267 = tpu.vector_load_idx %arg7[%gather3A_266] : memref<10240xi32, #tpu.memory_space<vmem>>[vector<16xi32>], vector<16xi32>,
        %gather3A_268 = tpu.vector_load_idx %arg8[%broadcast_in_dim3A_260, %add3A_104] : memref<128x128xi32, #tpu.memory_space<vmem>>[vector<16xi32>, vector<16xi32>], vector<16xi32>,
        %gather3A_269 = tpu.vector_load_idx %arg7[%gather3A_268] : memref<10240xi32, #tpu.memory_space<vmem>>[vector<16xi32>], vector<16xi32>,
        %gather3A_270 = tpu.vector_load_idx %arg8[%broadcast_in_dim3A_260, %add3A_110] : memref<128x128xi32, #tpu.memory_space<vmem>>[vector<16xi32>, vector<16xi32>], vector<16xi32>,
        %gather3A_271 = tpu.vector_load_idx %arg7[%gather3A_270] : memref<10240xi32, #tpu.memory_space<vmem>>[vector<16xi32>], vector<16xi32>,
        %gather3A_272 = tpu.vector_load_idx %arg8[%broadcast_in_dim3A_260, %add3A_116] : memref<128x128xi32, #tpu.memory_space<vmem>>[vector<16xi32>, vector<16xi32>], vector<16xi32>,
        %gather3A_273 = tpu.vector_load_idx %arg7[%gather3A_272] : memref<10240xi32, #tpu.memory_space<vmem>>[vector<16xi32>], vector<16xi32>,
        %gather3A_274 = tpu.vector_load_idx %arg8[%broadcast_in_dim3A_260, %add3A_122] : memref<128x128xi32, #tpu.memory_space<vmem>>[vector<16xi32>, vector<16xi32>], vector<16xi32>,
        %gather3A_275 = tpu.vector_load_idx %arg7[%gather3A_274] : memref<10240xi32, #tpu.memory_space<vmem>>[vector<16xi32>], vector<16xi32>,
        %bitcast3A = vector.bitcast %gather3A_261 : vector<16xi32> to vector<16xf32>
        %mul3A_276 = arith.mulf %get3A_33, %bitcast3A : vector<16xf32>
        %bitcast3A_277 = vector.bitcast %gather3A_263 : vector<16xi32> to vector<16xf32>
        %mul3A_278 = arith.mulf %get3A_39, %bitcast3A_277 : vector<16xf32>
        %bitcast3A_279 = vector.bitcast %gather3A_265 : vector<16xi32> to vector<16xf32>
        %mul3A_280 = arith.mulf %get3A_45, %bitcast3A_279 : vector<16xf32>
        %bitcast3A_281 = vector.bitcast %gather3A_267 : vector<16xi32> to vector<16xf32>
        %mul3A_282 = arith.mulf %get3A_51, %bitcast3A_281 : vector<16xf32>
        %bitcast3A_283 = vector.bitcast %gather3A_269 : vector<16xi32> to vector<16xf32>
        %mul3A_284 = arith.mulf %get3A_57, %bitcast3A_283 : vector<16xf32>
        %bitcast3A_285 = vector.bitcast %gather3A_271 : vector<16xi32> to vector<16xf32>
        %mul3A_286 = arith.mulf %get3A_63, %bitcast3A_285 : vector<16xf32>
        %bitcast3A_287 = vector.bitcast %gather3A_273 : vector<16xi32> to vector<16xf32>
        %mul3A_288 = arith.mulf %get3A_69, %bitcast3A_287 : vector<16xf32>
        %bitcast3A_289 = vector.bitcast %gather3A_275 : vector<16xi32> to vector<16xf32>
        %mul3A_290 = arith.mulf %get3A_75, %bitcast3A_289 : vector<16xf32>
        %shift_left3A = arith.constant 16 : i32
        %shift_left3A_291 = vector.broadcast %shift_left3A : i32 to vector<16xi32>
        %shift_left3A_292 = arith.shli %gather3A_261, %shift_left3A_291 : vector<16xi32>
        %bitcast3A_293 = vector.bitcast %shift_left3A_292 : vector<16xi32> to vector<16xf32>
        %mul3A_294 = arith.mulf %get3A_33, %bitcast3A_293 : vector<16xf32>
        %shift_left3A_295 = arith.constant 16 : i32
        %shift_left3A_296 = vector.broadcast %shift_left3A_295 : i32 to vector<16xi32>
        %shift_left3A_297 = arith.shli %gather3A_263, %shift_left3A_296 : vector<16xi32>
        %bitcast3A_298 = vector.bitcast %shift_left3A_297 : vector<16xi32> to vector<16xf32>
        %mul3A_299 = arith.mulf %get3A_39, %bitcast3A_298 : vector<16xf32>
        %shift_left3A_300 = arith.constant 16 : i32
        %shift_left3A_301 = vector.broadcast %shift_left3A_300 : i32 to vector<16xi32>
        %shift_left3A_302 = arith.shli %gather3A_265, %shift_left3A_301 : vector<16xi32>
        %bitcast3A_303 = vector.bitcast %shift_left3A_302 : vector<16xi32> to vector<16xf32>
        %mul3A_304 = arith.mulf %get3A_45, %bitcast3A_303 : vector<16xf32>
        %shift_left3A_305 = arith.constant 16 : i32
        %shift_left3A_306 = vector.broadcast %shift_left3A_305 : i32 to vector<16xi32>
        %shift_left3A_307 = arith.shli %gather3A_267, %shift_left3A_306 : vector<16xi32>
        %bitcast3A_308 = vector.bitcast %shift_left3A_307 : vector<16xi32> to vector<16xf32>
        %mul3A_309 = arith.mulf %get3A_51, %bitcast3A_308 : vector<16xf32>
        %shift_left3A_310 = arith.constant 16 : i32
        %shift_left3A_311 = vector.broadcast %shift_left3A_310 : i32 to vector<16xi32>
        %shift_left3A_312 = arith.shli %gather3A_269, %shift_left3A_311 : vector<16xi32>
        %bitcast3A_313 = vector.bitcast %shift_left3A_312 : vector<16xi32> to vector<16xf32>
        %mul3A_314 = arith.mulf %get3A_57, %bitcast3A_313 : vector<16xf32>
        %shift_left3A_315 = arith.constant 16 : i32
        %shift_left3A_316 = vector.broadcast %shift_left3A_315 : i32 to vector<16xi32>
        %shift_left3A_317 = arith.shli %gather3A_271, %shift_left3A_316 : vector<16xi32>
        %bitcast3A_318 = vector.bitcast %shift_left3A_317 : vector<16xi32> to vector<16xf32>
        %mul3A_319 = arith.mulf %get3A_63, %bitcast3A_318 : vector<16xf32>
        %shift_left3A_320 = arith.constant 16 : i32
        %shift_left3A_321 = vector.broadcast %shift_left3A_320 : i32 to vector<16xi32>
        %shift_left3A_322 = arith.shli %gather3A_273, %shift_left3A_321 : vector<16xi32>
        %bitcast3A_323 = vector.bitcast %shift_left3A_322 : vector<16xi32> to vector<16xf32>
        %mul3A_324 = arith.mulf %get3A_69, %bitcast3A_323 : vector<16xf32>
        %shift_left3A_325 = arith.constant 16 : i32
        %shift_left3A_326 = vector.broadcast %shift_left3A_325 : i32 to vector<16xi32>
        %shift_left3A_327 = arith.shli %gather3A_275, %shift_left3A_326 : vector<16xi32>
        %bitcast3A_328 = vector.bitcast %shift_left3A_327 : vector<16xi32> to vector<16xf32>
        %mul3A_329 = arith.mulf %get3A_75, %bitcast3A_328 : vector<16xf32>
        %shift_right_arithmetic3A = arith.constant 3 : i32
        %shift_right_arithmetic3A_330 = arith.shrsi %add3A_259, %shift_right_arithmetic3A : i32
        %and3A_331 = arith.constant 7 : i32
        %and3A_332 = arith.andi %add3A_259, %and3A_331 : i32
        %mul3A_333 = arith.constant 16 : i32
        %mul3A_334 = arith.muli %and3A_332, %mul3A_333 : i32
        %add3A_335 = arith.addf %mul3A_276, %mul3A_278 : vector<16xf32>
        %add3A_336 = arith.addf %mul3A_280, %mul3A_282 : vector<16xf32>
        %add3A_337 = arith.addf %add3A_335, %add3A_336 : vector<16xf32>
        %add3A_338 = arith.addf %mul3A_284, %mul3A_286 : vector<16xf32>
        %add3A_339 = arith.addf %mul3A_288, %mul3A_290 : vector<16xf32>
        %add3A_340 = arith.addf %add3A_338, %add3A_339 : vector<16xf32>
        %add3A_341 = arith.addf %add3A_337, %add3A_340 : vector<16xf32>
        %add3A_342 = arith.addf %add3A_341, %select_n3A_129 : vector<16xf32>
        %swap3A = arith.index_cast %shift_right_arithmetic3A_330 : i32 to index
        %swap3A_343 = arith.index_cast %mul3A_334 : i32 to index
        %swap3A_344 = tpu.vector_load %arg12[%swap3A, %swap3A_343] {strides = array<i32>} : memref<16x128xf32, #tpu.memory_space<vmem>>, vector<16xf32>,
        tpu.vector_store %arg12[%swap3A, %swap3A_343], %add3A_342 {strides = array<i32>} : memref<16x128xf32, #tpu.memory_space<vmem>>, vector<16xf32>,
        %add3A_345 = arith.addf %mul3A_294, %mul3A_299 : vector<16xf32>
        %add3A_346 = arith.addf %mul3A_304, %mul3A_309 : vector<16xf32>
        %add3A_347 = arith.addf %add3A_345, %add3A_346 : vector<16xf32>
        %add3A_348 = arith.addf %mul3A_314, %mul3A_319 : vector<16xf32>
        %add3A_349 = arith.addf %mul3A_324, %mul3A_329 : vector<16xf32>
        %add3A_350 = arith.addf %add3A_348, %add3A_349 : vector<16xf32>
        %add3A_351 = arith.addf %add3A_347, %add3A_350 : vector<16xf32>
        %add3A_352 = arith.addf %add3A_351, %select_n3A_129 : vector<16xf32>
        %swap3A_353 = arith.index_cast %shift_right_arithmetic3A_330 : i32 to index
        %swap3A_354 = arith.index_cast %mul3A_334 : i32 to index
        %swap3A_355 = tpu.vector_load %arg13[%swap3A_353, %swap3A_354] {strides = array<i32>} : memref<16x128xf32, #tpu.memory_space<vmem>>, vector<16xf32>,
        tpu.vector_store %arg13[%swap3A_353, %swap3A_354], %add3A_352 {strides = array<i32>} : memref<16x128xf32, #tpu.memory_space<vmem>>, vector<16xf32>,
      }
      %scan3A_236 = arith.constant 16 : i32
      %lt3A_237 = arith.constant 2 : i32
      %lt3A_238 = vector.broadcast %lt3A_237 : i32 to vector<16xi32>
      %lt3A_239 = arith.cmpi slt, %iota3A, %lt3A_238 : vector<16xi32>
      %broadcast_in_dim3A_240 = arith.constant 608 : i32
      %broadcast_in_dim3A_241 = vector.broadcast %broadcast_in_dim3A_240 : i32 to vector<16xi32>
      %add3A_242 = arith.addi %broadcast_in_dim3A_241, %iota3A : vector<16xi32>
      %broadcast_in_dim3A_243 = arith.constant 1407 : i32
      %broadcast_in_dim3A_244 = vector.broadcast %broadcast_in_dim3A_243 : i32 to vector<16xi32>
      %select_n3A_245 = arith.select %lt3A_239, %add3A_242, %broadcast_in_dim3A_244 : vector<16xi1>, vector<16xi32>
      "tpu.region"() ({
        %run_scoped3A = tpu.sem_alloc : memref<!tpu.dma_semaphore, #tpu.memory_space<semaphore_mem>>
        %dma_start3A_255 = arith.constant 0 : i32
        %dma_start3A_256 = arith.constant 0 : i32
        %dma_start3A_257 = tpu.memref_slice %arg17[%dma_start3A_255, %dma_start3A_256] : memref<1408x128xf32, #tpu.memory_space<vmem_shared>> -> memref<1408x128xf32, #tpu.memory_space<vmem_shared>>
        tpu.enqueue_indirect_dma source(%arg12 : memref<16x128xf32, #tpu.memory_space<vmem>>) target(%dma_start3A_257 : memref<1408x128xf32, #tpu.memory_space<vmem_shared>>) offsets(%select_n3A_245 : vector<16xi32>) semaphore(%run_scoped3A : memref<!tpu.dma_semaphore, #tpu.memory_space<semaphore_mem>>) {add = true}
        %dma_wait3A_258 = arith.constant 0 : i32
        %dma_wait3A_259 = arith.constant 0 : i32
        %dma_wait3A_260 = tpu.memref_slice %arg17[%dma_wait3A_258, %dma_wait3A_259] : memref<1408x128xf32, #tpu.memory_space<vmem_shared>> -> memref<1408x128xf32, #tpu.memory_space<vmem_shared>>
        tpu.wait_indirect_dma semaphore(%run_scoped3A : memref<!tpu.dma_semaphore, #tpu.memory_space<semaphore_mem>>) src(%arg12 : memref<16x128xf32, #tpu.memory_space<vmem>>) dst(%dma_wait3A_260 : memref<1408x128xf32, #tpu.memory_space<vmem_shared>>)
        tpu.yield
      }) : () -> ()
      %lt3A_246 = arith.constant 2 : i32
      %lt3A_247 = vector.broadcast %lt3A_246 : i32 to vector<16xi32>
      %lt3A_248 = arith.cmpi slt, %iota3A, %lt3A_247 : vector<16xi32>
      %broadcast_in_dim3A_249 = arith.constant 1312 : i32
      %broadcast_in_dim3A_250 = vector.broadcast %broadcast_in_dim3A_249 : i32 to vector<16xi32>
      %add3A_251 = arith.addi %broadcast_in_dim3A_250, %iota3A : vector<16xi32>
      %broadcast_in_dim3A_252 = arith.constant 1407 : i32
      %broadcast_in_dim3A_253 = vector.broadcast %broadcast_in_dim3A_252 : i32 to vector<16xi32>
      %select_n3A_254 = arith.select %lt3A_248, %add3A_251, %broadcast_in_dim3A_253 : vector<16xi1>, vector<16xi32>
      "tpu.region"() ({
        %run_scoped3A = tpu.sem_alloc : memref<!tpu.dma_semaphore, #tpu.memory_space<semaphore_mem>>
        %dma_start3A_255 = arith.constant 0 : i32
        %dma_start3A_256 = arith.constant 0 : i32
        %dma_start3A_257 = tpu.memref_slice %arg17[%dma_start3A_255, %dma_start3A_256] : memref<1408x128xf32, #tpu.memory_space<vmem_shared>> -> memref<1408x128xf32, #tpu.memory_space<vmem_shared>>
        tpu.enqueue_indirect_dma source(%arg13 : memref<16x128xf32, #tpu.memory_space<vmem>>) target(%dma_start3A_257 : memref<1408x128xf32, #tpu.memory_space<vmem_shared>>) offsets(%select_n3A_254 : vector<16xi32>) semaphore(%run_scoped3A : memref<!tpu.dma_semaphore, #tpu.memory_space<semaphore_mem>>) {add = true}
        %dma_wait3A_258 = arith.constant 0 : i32
        %dma_wait3A_259 = arith.constant 0 : i32
        %dma_wait3A_260 = tpu.memref_slice %arg17[%dma_wait3A_258, %dma_wait3A_259] : memref<1408x128xf32, #tpu.memory_space<vmem_shared>> -> memref<1408x128xf32, #tpu.memory_space<vmem_shared>>
        tpu.wait_indirect_dma semaphore(%run_scoped3A : memref<!tpu.dma_semaphore, #tpu.memory_space<semaphore_mem>>) src(%arg13 : memref<16x128xf32, #tpu.memory_space<vmem>>) dst(%dma_wait3A_260 : memref<1408x128xf32, #tpu.memory_space<vmem_shared>>)
        tpu.yield
      }) : () -> ()
    } else {
    }
    %barrier3A_167 = arith.constant 0 : index
    tpu.barrier barrier_id(%barrier3A_167)
    %jit3A_168 = arith.constant 8 : i32
    %div3A_169 = arith.divsi %arg1, %jit3A_168 : i32
    %sign3A_170 = arith.constant 0 : i32
    %sign3A_171 = arith.cmpi sgt, %arg1, %sign3A_170 : i32
    %sign3A_172 = arith.extui %sign3A_171 : i1 to i32
    %sign3A_173 = arith.constant 0 : i32
    %sign3A_174 = arith.cmpi slt, %arg1, %sign3A_173 : i32
    %sign3A_175 = arith.extui %sign3A_174 : i1 to i32
    %sign3A_176 = arith.subi %sign3A_172, %sign3A_175 : i32
    %sign3A_177 = arith.constant 0 : i32
    %sign3A_178 = arith.cmpi sgt, %jit3A_168, %sign3A_177 : i32
    %sign3A_179 = arith.extui %sign3A_178 : i1 to i32
    %sign3A_180 = arith.constant 0 : i32
    %sign3A_181 = arith.cmpi slt, %jit3A_168, %sign3A_180 : i32
    %sign3A_182 = arith.extui %sign3A_181 : i1 to i32
    %sign3A_183 = arith.subi %sign3A_179, %sign3A_182 : i32
    %ne3A_184 = arith.cmpi ne, %sign3A_176, %sign3A_183 : i32
    %rem3A_185 = arith.remsi %arg1, %jit3A_168 : i32
    %ne3A_186 = arith.constant 0 : i32
    %ne3A_187 = arith.cmpi ne, %rem3A_185, %ne3A_186 : i32
    %and3A_188 = arith.andi %ne3A_184, %ne3A_187 : i1
    %sub3A_189 = arith.constant 1 : i32
    %sub3A_190 = arith.subi %div3A_169, %sub3A_189 : i32
    %select_n3A_191 = arith.select %and3A_188, %sub3A_190, %div3A_169 : i32
    %jit3A_192 = arith.constant 8 : i32
    %eq3A_193 = arith.constant 0 : i32
    %eq3A_194 = arith.cmpi eq, %jit3A_192, %eq3A_193 : i32
    %jit3A_195 = arith.constant 1 : i32
    %select_n3A_196 = arith.select %eq3A_194, %jit3A_195, %jit3A_192 : i32
    %rem3A_197 = arith.remsi %arg1, %select_n3A_196 : i32
    %ne3A_198 = arith.constant 0 : i32
    %ne3A_199 = arith.cmpi ne, %rem3A_197, %ne3A_198 : i32
    %lt3A = arith.constant 0 : i32
    %lt3A_200 = arith.cmpi slt, %rem3A_197, %lt3A : i32
    %lt3A_201 = arith.constant 0 : i32
    %lt3A_202 = arith.cmpi slt, %select_n3A_196, %lt3A_201 : i32
    %ne3A_203 = arith.xori %lt3A_200, %lt3A_202 : i1
    %and3A_204 = arith.andi %ne3A_203, %ne3A_199 : i1
    %add3A_205 = arith.addi %rem3A_197, %select_n3A_196 : i32
    %select_n3A_206 = arith.select %and3A_204, %add3A_205, %rem3A_197 : i32
    %eq3A_207 = arith.constant 0 : i32
    %eq3A_208 = arith.cmpi eq, %arg0, %eq3A_207 : i32
    %convert_element_type3A_209 = arith.extui %eq3A_208 : i1 to i32
    %cond3A_210 = arith.constant 0 : i32
    %cond3A_211 = arith.cmpi ne, %convert_element_type3A_209, %cond3A_210 : i32
    scf.if %cond3A_211 {
      %mul3A_228 = arith.constant 704 : i32
      %mul3A_229 = arith.muli %select_n3A_191, %mul3A_228 : i32
      %mul3A_230 = arith.constant 80 : i32
      %mul3A_231 = arith.muli %select_n3A_206, %mul3A_230 : i32
      %add3A_232 = arith.addi %mul3A_229, %mul3A_231 : i32
      %mul3A_233 = arith.constant 1280 : i32
      %mul3A_234 = arith.muli %select_n3A_191, %mul3A_233 : i32
      %mul3A_235 = arith.constant 80 : i32
      %mul3A_236 = arith.muli %select_n3A_206, %mul3A_235 : i32
      %add3A_237 = arith.addi %mul3A_234, %mul3A_236 : i32
      "tpu.region"() ({
        %run_scoped3A = tpu.sem_alloc : memref<!tpu.dma_semaphore, #tpu.memory_space<semaphore_mem>>
        %dma_start3A_238 = arith.constant 0 : i32
        %dma_start3A_239 = tpu.memref_slice %arg6[%add3A_237, %dma_start3A_238] : memref<2560x128xf32, #tpu.memory_space<hbm>> -> memref<80x128xf32, #tpu.memory_space<hbm>>
        %dma_start3A_240 = arith.constant 0 : i32
        %dma_start3A_241 = tpu.memref_slice %arg17[%add3A_232, %dma_start3A_240] : memref<1408x128xf32, #tpu.memory_space<vmem_shared>> -> memref<80x128xf32, #tpu.memory_space<vmem_shared>>
        tpu.enqueue_dma source(%dma_start3A_241 : memref<80x128xf32, #tpu.memory_space<vmem_shared>>) target(%dma_start3A_239 : memref<80x128xf32, #tpu.memory_space<hbm>>) target_semaphore(%run_scoped3A : memref<!tpu.dma_semaphore, #tpu.memory_space<semaphore_mem>>)
        %dma_wait3A_242 = arith.constant 0 : i32
        %dma_wait3A_243 = tpu.memref_slice %arg6[%add3A_237, %dma_wait3A_242] : memref<2560x128xf32, #tpu.memory_space<hbm>> -> memref<80x128xf32, #tpu.memory_space<hbm>>
        %dma_wait3A_244 = arith.constant 0 : i32
        %dma_wait3A_245 = tpu.memref_slice %arg17[%add3A_232, %dma_wait3A_244] : memref<1408x128xf32, #tpu.memory_space<vmem_shared>> -> memref<80x128xf32, #tpu.memory_space<vmem_shared>>
        tpu.wait_dma2 semaphore(%run_scoped3A : memref<!tpu.dma_semaphore, #tpu.memory_space<semaphore_mem>>) src(%dma_wait3A_245 : memref<80x128xf32, #tpu.memory_space<vmem_shared>>) dst(%dma_wait3A_243 : memref<80x128xf32, #tpu.memory_space<hbm>>)
        tpu.yield
      }) : () -> ()
    } else {
    }
    %eq3A_212 = arith.constant 1 : i32
    %eq3A_213 = arith.cmpi eq, %arg0, %eq3A_212 : i32
    %lt3A_214 = arith.constant 7 : i32
    %lt3A_215 = arith.cmpi slt, %select_n3A_206, %lt3A_214 : i32
    %and3A_216 = arith.andi %eq3A_213, %lt3A_215 : i1
    %convert_element_type3A_217 = arith.extui %and3A_216 : i1 to i32
    %cond3A_218 = arith.constant 0 : i32
    %cond3A_219 = arith.cmpi ne, %convert_element_type3A_217, %cond3A_218 : i32
    scf.if %cond3A_219 {
      %mul3A_228 = arith.constant 704 : i32
      %mul3A_229 = arith.muli %select_n3A_191, %mul3A_228 : i32
      %mul3A_230 = arith.constant 72 : i32
      %mul3A_231 = arith.muli %select_n3A_206, %mul3A_230 : i32
      %add3A_232 = arith.addi %mul3A_229, %mul3A_231 : i32
      %mul3A_233 = arith.constant 1280 : i32
      %mul3A_234 = arith.muli %select_n3A_191, %mul3A_233 : i32
      %add3A_235 = arith.constant 640 : i32
      %add3A_236 = arith.addi %mul3A_234, %add3A_235 : i32
      %mul3A_237 = arith.constant 72 : i32
      %mul3A_238 = arith.muli %select_n3A_206, %mul3A_237 : i32
      %add3A_239 = arith.addi %add3A_236, %mul3A_238 : i32
      "tpu.region"() ({
        %run_scoped3A = tpu.sem_alloc : memref<!tpu.dma_semaphore, #tpu.memory_space<semaphore_mem>>
        %dma_start3A_240 = arith.constant 0 : i32
        %dma_start3A_241 = tpu.memref_slice %arg6[%add3A_239, %dma_start3A_240] : memref<2560x128xf32, #tpu.memory_space<hbm>> -> memref<72x128xf32, #tpu.memory_space<hbm>>
        %dma_start3A_242 = arith.constant 0 : i32
        %dma_start3A_243 = tpu.memref_slice %arg17[%add3A_232, %dma_start3A_242] : memref<1408x128xf32, #tpu.memory_space<vmem_shared>> -> memref<72x128xf32, #tpu.memory_space<vmem_shared>>
        tpu.enqueue_dma source(%dma_start3A_243 : memref<72x128xf32, #tpu.memory_space<vmem_shared>>) target(%dma_start3A_241 : memref<72x128xf32, #tpu.memory_space<hbm>>) target_semaphore(%run_scoped3A : memref<!tpu.dma_semaphore, #tpu.memory_space<semaphore_mem>>)
        %dma_wait3A_244 = arith.constant 0 : i32
        %dma_wait3A_245 = tpu.memref_slice %arg6[%add3A_239, %dma_wait3A_244] : memref<2560x128xf32, #tpu.memory_space<hbm>> -> memref<72x128xf32, #tpu.memory_space<hbm>>
        %dma_wait3A_246 = arith.constant 0 : i32
        %dma_wait3A_247 = tpu.memref_slice %arg17[%add3A_232, %dma_wait3A_246] : memref<1408x128xf32, #tpu.memory_space<vmem_shared>> -> memref<72x128xf32, #tpu.memory_space<vmem_shared>>
        tpu.wait_dma2 semaphore(%run_scoped3A : memref<!tpu.dma_semaphore, #tpu.memory_space<semaphore_mem>>) src(%dma_wait3A_247 : memref<72x128xf32, #tpu.memory_space<vmem_shared>>) dst(%dma_wait3A_245 : memref<72x128xf32, #tpu.memory_space<hbm>>)
        tpu.yield
      }) : () -> ()
    } else {
    }
    %eq3A_220 = arith.constant 1 : i32
    %eq3A_221 = arith.cmpi eq, %arg0, %eq3A_220 : i32
    %eq3A_222 = arith.constant 7 : i32
    %eq3A_223 = arith.cmpi eq, %select_n3A_206, %eq3A_222 : i32
    %and3A_224 = arith.andi %eq3A_221, %eq3A_223 : i1
    %convert_element_type3A_225 = arith.extui %and3A_224 : i1 to i32
    %cond3A_226 = arith.constant 0 : i32
    %cond3A_227 = arith.cmpi ne, %convert_element_type3A_225, %cond3A_226 : i32
    scf.if %cond3A_227 {
      %mul3A_228 = arith.constant 704 : i32
      %mul3A_229 = arith.muli %select_n3A_191, %mul3A_228 : i32
      %add3A_230 = arith.constant 504 : i32
      %add3A_231 = arith.addi %mul3A_229, %add3A_230 : i32
      %mul3A_232 = arith.constant 1280 : i32
      %mul3A_233 = arith.muli %select_n3A_191, %mul3A_232 : i32
      %add3A_234 = arith.constant 640 : i32
      %add3A_235 = arith.addi %mul3A_233, %add3A_234 : i32
      %add3A_236 = arith.constant 504 : i32
      %add3A_237 = arith.addi %add3A_235, %add3A_236 : i32
      "tpu.region"() ({
        %run_scoped3A = tpu.sem_alloc : memref<!tpu.dma_semaphore, #tpu.memory_space<semaphore_mem>>
        %dma_start3A_238 = arith.constant 0 : i32
        %dma_start3A_239 = tpu.memref_slice %arg6[%add3A_237, %dma_start3A_238] : memref<2560x128xf32, #tpu.memory_space<hbm>> -> memref<112x128xf32, #tpu.memory_space<hbm>>
        %dma_start3A_240 = arith.constant 0 : i32
        %dma_start3A_241 = tpu.memref_slice %arg17[%add3A_231, %dma_start3A_240] : memref<1408x128xf32, #tpu.memory_space<vmem_shared>> -> memref<112x128xf32, #tpu.memory_space<vmem_shared>>
        tpu.enqueue_dma source(%dma_start3A_241 : memref<112x128xf32, #tpu.memory_space<vmem_shared>>) target(%dma_start3A_239 : memref<112x128xf32, #tpu.memory_space<hbm>>) target_semaphore(%run_scoped3A : memref<!tpu.dma_semaphore, #tpu.memory_space<semaphore_mem>>)
        %dma_wait3A_242 = arith.constant 0 : i32
        %dma_wait3A_243 = tpu.memref_slice %arg6[%add3A_237, %dma_wait3A_242] : memref<2560x128xf32, #tpu.memory_space<hbm>> -> memref<112x128xf32, #tpu.memory_space<hbm>>
        %dma_wait3A_244 = arith.constant 0 : i32
        %dma_wait3A_245 = tpu.memref_slice %arg17[%add3A_231, %dma_wait3A_244] : memref<1408x128xf32, #tpu.memory_space<vmem_shared>> -> memref<112x128xf32, #tpu.memory_space<vmem_shared>>
        tpu.wait_dma2 semaphore(%run_scoped3A : memref<!tpu.dma_semaphore, #tpu.memory_space<semaphore_mem>>) src(%dma_wait3A_245 : memref<112x128xf32, #tpu.memory_space<vmem_shared>>) dst(%dma_wait3A_243 : memref<112x128xf32, #tpu.memory_space<hbm>>)
        tpu.yield
      }) : () -> ()
    } else {
    }
    return
  }
}

</mosaic_0001>

<sc_bundles>
// kernel: _lrf_sc.3.cloned.1.call-start
scs
__scs_entry_jumppad:
0x0: {  	(pc) =	sbr.rel $0x88, $3  }
0x1: {  	(tag) =	ssettag $0x0;
	lr =	simm.s32 $0x1  }
0x2: {  	[smem:$0x3F9D] =	sst lr;
	_ =	strace $0xD0000000  }
0x3: {  	_ = 	snop  }
0x4: {  	_ = 	snop  }
0x5: {  	_ = 	snop  }
0x6: {  	_ = 	snop  }
0x7: {  	_ = 	snop  }
__scs_overlays_trampoline_lowered:
0x8: {  	[smem:$0x3FAC] =	sst s0  }
0x9: {  	[smem:$0x3FAD] =	sst s1  }
0xa: {  	[smem:$0x3FAE] =	sst s2  }
0xb: {  	[smem:$0x3FAF] =	sst s3  }
0xc: {  	[smem:$0x3FB0] =	sst s4  }
0xd: {  	[smem:$0x3FB1] =	sst s5  }
0xe: {  	[smem:$0x3FB2] =	sst s6  }
0xf: {  	[smem:$0x3FB3] =	sst s7  }
0x10: {  	[smem:$0x3FB4] =	sst s8  }
0x11: {  	[smem:$0x3FB5] =	sst s9;
	s0 =	simm.s32 @!p0 $0x0  }
0x12: {  	s1 =	sld [smem:$0x3F9B];
	s0 =	simm.s32 @p0 $0x1  }
0x13: {  	[smem:$0x3FB6] =	sst s0;
	s0 =	simm.s32 @!p1 $0x0  }
0x14: {  	s2 =	sld [smem:$0x3F9A];
	s0 =	simm.s32 @p1 $0x1  }
0x15: {  	[smem:$0x3FB7] =	sst s0;
	s0 =	simm.s32 @!p2 $0x0  }
0x16: {  	s3 =	sld [smem:$0x3FDB];
	s0 =	simm.s32 @p2 $0x1  }
0x17: {  	s4 =	simm.s32 $0x1BF5;
	[smem:$0x3FB9] =	sst s0  }
0x18: {  	s0 =	sld [smem:$0x3F9C];
	_ =	swait.ge [sflag:s4], $0x0  }
0x19: {  	s7 =	sld [smem:$0x3F9D]  }
0x1a: {  	s8 =	sadd.s32 $0xFFFFE003, lr  }
0x1b: {  	s9 =	sadd.s32 $0xFFFFFEF7, lr;
	s5 =	simm.s32 $0xFFFFFFFF;
	p2 =	slt.u32 s8, $0xFFFFF086  }
0x1c: {  	p1 =	slt.u32 s9, $0xF7A;
	s5 =	simm.s32 @!p2 $0x0  }
0x1d: {  	s5 =	simm.s32 @p1 $0x1;
	p0 =	seq.s32 s7, s2  }
0x1e: {  	s7 =	smul.u32 @!p0 $0xF7A, s2;
	p2 =	seq.s32 @!p0 s5, $0x0  }
0x1f: {  	s9 =	smul.u32 $0xF7A, s1;
	s8 =	simm.s32 @!p0 $0x1BF5;
	p2 =	por !p2, p0  }
0x20: {  	[sflag:s8] =	ssyncset.s32 @!p0 $0xFFFFF086;
	s6 =	sadd.s32 @!p0 s3, s7;
	s7 =	simm.s32 @!p0 $0x108  }
0x21: {  	s3 =	sadd.s32 s3, s9;
	s6 =	sadd.s32 @!p0 $0x88, s6;
	s7 =	simm.s32 @p2 $0x1082  }
0x22: {  	[simem:s7], [sflag:s8] =	dma.local @!p0 [hbm:s6], $0xF7A  }
0x23: {  	s9 =	sor.u32 $0xD0000000, s2;
	s6 =	simm.s32 $0x108;
	_ =	swait.ge @!p0 [sflag:s8], $0x0  }
0x24: {  	s3 =	sadd.s32 $0x88, s3;
	s6 =	simm.s32 @!p1 $0x1082;
	[sflag:s4] =	ssyncset.s32 $0xFFFFF086  }
0x25: {  	[simem:s6], [sflag:s4] =	dma.local [hbm:s3], $0xF7A  }
0x26: {  	[smem:$0x3F9D] =	sst s1;
	(tag) =	ssettag s2;
	_ =	strace s9  }
0x27: {  	s1 =	sld [smem:$0x3FAD]  }
0x28: {  	s2 =	sld [smem:$0x3FAE]  }
0x29: {  	s4 =	sld [smem:$0x3FB0]  }
0x2a: {  	p0 =	seq.s32 s5, $0x0;
	s5 =	sld [smem:$0x3FB1]  }
0x2b: {  	s6 =	sld [smem:$0x3FB2]  }
0x2c: {  	s7 =	sld [smem:$0x3FB3]  }
0x2d: {  	s3 =	simm.s32 $0x108;
	s8 =	sld [smem:$0x3FB4]  }
0x2e: {  	s3 =	simm.s32 @!p0 $0x1082;
	s9 =	sld [smem:$0x3FB5]  }
0x2f: {  	lr =	sadd.s32 s0, s3;
	s0 =	sld [smem:$0x3FAC]  }
0x30: {  	s3 =	sld [smem:$0x3FAF]  }
0x31: {  	[smem:$0x3FB8] =	sst s10  }
0x32: {  	s10 =	sld [smem:$0x3FB6];
	_ =	sdelay $0x3  }
0x33: {  	p0 =	seq.s32 s10, $0x1;
	s10 =	sld [smem:$0x3FB8];
	_ =	sdelay $0x3  }
0x34: {  	[smem:$0x3FB8] =	sst s10  }
0x35: {  	s10 =	sld [smem:$0x3FB7];
	_ =	sdelay $0x3  }
0x36: {  	p1 =	seq.s32 s10, $0x1;
	s10 =	sld [smem:$0x3FB8];
	_ =	sdelay $0x3  }
0x37: {  	[smem:$0x3FB8] =	sst s10  }
0x38: {  	s10 =	sld [smem:$0x3FB9]  }
0x39: {  	_ = 	snop;
	(pc) =	sbr.ind lr, $3  }
0x3a: {  	_ = 	snop  }
0x3b: {  	_ = 	snop  }
0x3c: {  	p2 =	seq.s32 s10, $0x1;
	s10 =	sld [smem:$0x3FB8]  }
0x3d: {  	_ =	shalt  }
0x3e: {  	_ =	shalt  }
0x3f: {  	_ =	shalt  }
0x40: {  	_ =	shalt  }
0x41: {  	_ =	shalt  }
0x42: {  	_ =	shalt  }
0x43: {  	_ =	shalt  }
0x44: {  	_ =	shalt  }
0x45: {  	_ =	shalt  }
0x46: {  	_ =	shalt  }
0x47: {  	_ =	shalt  }
0x48: {  	_ =	shalt  }
0x49: {  	_ =	shalt  }
0x4a: {  	_ =	shalt  }
0x4b: {  	_ =	shalt  }
0x4c: {  	_ =	shalt  }
0x4d: {  	_ =	shalt  }
0x4e: {  	_ =	shalt  }
0x4f: {  	_ =	shalt  }
0x50: {  	_ =	shalt  }
0x51: {  	_ =	shalt  }
0x52: {  	_ =	shalt  }
0x53: {  	_ =	shalt  }
0x54: {  	_ =	shalt  }
0x55: {  	_ =	shalt  }
0x56: {  	_ =	shalt  }
0x57: {  	_ =	shalt  }
0x58: {  	_ =	shalt  }
0x59: {  	_ =	shalt  }
0x5a: {  	_ =	shalt  }
0x5b: {  	_ =	shalt  }
0x5c: {  	_ =	shalt  }
0x5d: {  	_ =	shalt  }
0x5e: {  	_ =	shalt  }
0x5f: {  	_ =	shalt  }
0x60: {  	_ =	shalt  }
0x61: {  	_ =	shalt  }
0x62: {  	_ =	shalt  }
0x63: {  	_ =	shalt  }
0x64: {  	_ =	shalt  }
0x65: {  	_ =	shalt  }
0x66: {  	_ =	shalt  }
0x67: {  	_ =	shalt  }
0x68: {  	_ =	shalt  }
0x69: {  	_ =	shalt  }
0x6a: {  	_ =	shalt  }
0x6b: {  	_ =	shalt  }
0x6c: {  	_ =	shalt  }
0x6d: {  	_ =	shalt  }
0x6e: {  	_ =	shalt  }
0x6f: {  	_ =	shalt  }
0x70: {  	_ =	shalt  }
0x71: {  	_ =	shalt  }
0x72: {  	_ =	shalt  }
0x73: {  	_ =	shalt  }
0x74: {  	_ =	shalt  }
0x75: {  	_ =	shalt  }
0x76: {  	_ =	shalt  }
0x77: {  	_ =	shalt  }
0x78: {  	_ =	shalt  }
0x79: {  	_ =	shalt  }
0x7a: {  	_ =	shalt  }
0x7b: {  	_ =	shalt  }
0x7c: {  	_ =	shalt  }
0x7d: {  	_ =	shalt  }
0x7e: {  	_ =	shalt  }
0x7f: {  	_ =	shalt  }
0x80: {  	_ =	shalt  }
0x81: {  	_ =	shalt  }
0x82: {  	_ =	shalt  }
0x83: {  	_ =	shalt  }
0x84: {  	_ =	shalt  }
0x85: {  	_ =	shalt  }
0x86: {  	_ =	shalt  }
0x87: {  	_ =	shalt  }
.Lfunc_end0:
.L_simem_size_0:
called_computation_lowered:
.L_overlay_start_0:
0x88: {  	s2 =	sld [smem:$0x3FD9]  }
0x89: {  	s3 =	sld [smem:$0x3FFE];
	_ =	sdelay $0x1  }
0x8a: {  	s1 =	srdreg.scid  }
0x8b: {  	s0 =	sand.u32 $0x1, s1  }
0x8c: {  	s18 =	sshll.u32 s0, $0xA;
	s2 =	sadd.s32 s3, s2  }
0x8d: {  	s2 =	sadd.s32 s2, s18  }
0x8e: {  	[smem:$0x3FC4] =	sst s2  }
0x8f: {  	_ = 	snop  }
0x90: {  	s2 =	sld [smem:$0x3FC9]  }
0x91: {  	s19 =	sld [smem:$0x3FC8]  }
0x92: {  	s4 =	sld [smem:$0x3FC7]  }
0x93: {  	s5 =	sld [smem:$0x3FC6]  }
0x94: {  	s6 =	sld [smem:$0x3FD0];
	(tm) =	ssettm $0x1  }
0x95: {  	s7 =	sld [smem:$0x3FFB];
	_ =	sdelay $0x3  }
0x96: {  	_ =	strace s7  }
0x97: {  	s7 =	sld [smem:$0x3FFC];
	_ =	sdelay $0x3  }
0x98: {  	_ =	strace s7  }
0x99: {  	s7 =	sld [smem:$0x3FFD];
	_ =	sdelay $0x3  }
0x9a: {  	_ =	strace s7  }
0x9b: {  	_ =	strace $0x8FFFFFFF  }
0x9c: {  	s20 =	sld [smem:$0x3FDB];
	_ =	sdelay $0x1  }
0x9d: {  	s8 =	simm.s32 $_scs_section_size  }
0x9e: {  	s9 =	simm.s32 $_size__tile_overlayer_lowered;
	s10 =	simm.s32 $_tile_overlayer_lowered  }
0x9f: {  	s23 =	simm.s32 $0x1BFF;
	s22 =	sshll.u32 s10, $0x1;
	s7 =	sadd.s32 s8, s20  }
0xa0: {  	s11 =	simm.s32 $0x0;
	s21 =	sshll.u32 s9, $0x1;
	s9 =	sadd.s32 s22, s7  }
0xa1: {  	[timem:s11], [sflag:s23] =	dma.local [hbm:s9], s21  }
0xa2: {  	_ =	swait.ge [sflag:s23], s21  }
0xa3: {  	s8 =	ssub.s32 $0x0, s21;
	[sflag:s23] =	ssyncset.done $0x0  }
0xa4: {  	[sflag:s23] =	ssyncadd.s32 s8;
	_ =	sdelay $0x1  }
0xa5: {  	s24 =	simm.s32 $0x1B8B  }
0xa6: {  	_ =	swait.ge [sflag:s24], $0x1  }
0xa7: {  	[sflag:s24] =	ssyncset.done $0x0  }
0xa8: {  	s25 =	simm.s32 $0x1B8E;
	[sflag:s24] =	ssyncadd.s32 $0xFFFFFFFF  }
0xa9: {  	s26 =	simm.s32 $execute0_lowered;
	[smem:$0x3FD2] =	sst s25  }
0xaa: {  	s8 =	sshll.u32 s26, $0x1;
	_ =	strace $0x80000046;
	[dreg:$0x1] =	wrdreg $0xFFFFFFFF  }
0xab: {  	s28 =	simm.s32 $_size_execute0_lowered;
	s7 =	sadd.s32 s7, s8;
	[dreg:$0x0] =	wrdreg $0x0  }
0xac: {  	s8 =	sshll.u32 s28, $0x1;
	[dreg:$0x2] =	wrdreg s7  }
0xad: {  	[dreg:$0x3] =	wrdreg s8  }
0xae: {  	[dreg:$0x4] =	wrdreg $0xC0  }
0xaf: {  	_ =	task [dreg:s11], $0x5FFFF  }
0xb0: {  	[dreg:$0x1] =	wrdreg $0xFFFFFFFF  }
0xb1: {  	[dreg:$0x0] =	wrdreg $0x60  }
0xb2: {  	[dreg:$0x2] =	wrdreg s2  }
0xb3: {  	[dreg:$0x3] =	wrdreg s19  }
0xb4: {  	[dreg:$0x4] =	wrdreg s4  }
0xb5: {  	[dreg:$0x5] =	wrdreg s5  }
0xb6: {  	[dreg:$0x6] =	wrdreg s6  }
0xb7: {  	[dreg:$0x7] =	wrdreg $0xF5000  }
0xb8: {  	[dreg:$0x8] =	wrdreg $0x9  }
0xb9: {  	_ =	task.clear_ibuf [dreg:s11], $0x9FFFF;
	_ =	strace $0x90000046  }
0xba: {  	s29 =	simm.s32 $0x9;
	_ =	strace $0x80000048  }
0xbb: {  	_ =	swait.ge [sflag:s29], $0x1  }
0xbc: {  	[sflag:s29] =	ssyncadd.s32 $0xFFFFFFFF  }
0xbd: {  	_ =	strace $0x90000048  }
0xbe: {  	_ =	sfence  }
0xbf: {  	s30 =	sld [smem:$0x0];
	_ =	sdelay $0x2  }
0xc0: {  	s31 =	sshll.u32 s1, $0xD;
	s1 =	sshrl.u32 s1, $0x2  }
0xc1: {  	s3 =	sand.u32 $0x4000, s31;
	s1 =	sadd.s32 s1, s30  }
0xc2: {  	s0 =	sor.u32 s3, s0;
	s1 =	sshll.u32 s1, $0x11  }
0xc3: {  	s0 =	sor.u32 s1, s0  }
0xc4: {  	s0 =	sadd.s32 $0x8F2B, s0  }
0xc5: {  	[sflag:s0] =	ssyncadd.remote.s32 $0x1  }
0xc6: {  	_ =	sfence.sel $0xFFFF  }
0xc7: {  	[dreg:$0x0] =	wrdreg $0xFFFFFFFF;
	(pc) =	sbr.abs _section_cstart, $3  }
0xc8: {  	[dreg:$0x1] =	wrdreg $0xFFFFFFFF  }
0xc9: {  	_ =	task.clear_ibuf [dreg:s11], $0x2FFFF;
	_ =	strace $0x9FFFFFFF  }
0xca: {  	(tm) =	ssettm $0x7FFFFFFF  }
0xcb: {  	_ =	shalt  }
tec
execute0_lowered:
.L_overlay_start_1:
0x0: {  	(tag) =	ssettag $0x1  }
0x1: {  	s8 =	rddreg [dreg:$0x0]  }
0x2: {  	s1 =	rddreg [dreg:$0x1]  }
0x3: {  	s9 =	rddreg [dreg:$0x2]  }
0x4: {  	s2 =	rddreg [dreg:$0x4]  }
0x5: {  	s3 =	rddreg [dreg:$0x5];
	s0 =	srdreg.scid;
	s4 =	simm.s32 $0x0  }
0x6: {  	s5 =	stileid.u32;
	s6 =	simm.s32 $0x28;
	s28 =	simm.s32 $0x2800  }
0x7: {  	s29 =	simm.s32 $0x6800;
	s30 =	simm.s32 $0x1;
	s31 =	simm.s32 $0xA900  }
0x8: {  	s0 =	sand.u32 $0x1, s0;
	[smem:$0x7FF] =	sst s4;
	s11 =	smul.u32 $0x500, s5  }
0x9: {  	s12 =	smul.u32 $0xB000, s5;
	s15 =	sshll.u32 s5, $0x4;
	s18 =	sshll.u32 s5, $0xA  }
0xa: {  	s19 =	sshrl.u32 s5, $0x3;
	s20 =	sand.u32 $0x7, s5;
	s17 =	smul.u32 $0xA00000, s0  }
0xb: {  	s22 =	sshll.u32 s5, $0x7;
	s7 =	ssub.s32 $0x2, s0;
	s21 =	smul.u32 $0x2C0, s19  }
0xc: {  	_ =	strace $0x80000047;
	p0 =	seq.s32 s0, $0x0;
	s14 =	smul.u32 $0x50, s20  }
0xd: {  	p1 =	seq.s32 s0, $0x1;
	p2 =	sne.s32 s20, $0x7;
	s24 =	smul.u32 $0x58000, s19  }
0xe: {  	p3 =	seq.s32 s20, $0x7;
	s10 =	sshrl.u32 s7, $0x1;
	s6 =	simm.s32 @!p0 $0x26  }
0xf: {  	s8 =	sadd.s32 s8, s11;
	s16 =	sshrl.u32 s12, $0x2;
	p0 =	seq.s32 s5, $0x0  }
0x10: {  	p2 =	por !p2, !p1;
	s12 =	smul.u32 $0x28000, s19;
	p3 =	por !p3, !p1  }
0x11: {  	s10 =	ssub.s32 s7, s10;
	s7 =	sshrl.u32 s6, $0x1;
	[dreg:$0x7] =	wrdreg s8  }
0x12: {  	s8 =	sadd.s32 s9, s15;
	s11 =	sor.u32 s18, s17;
	s15 =	smul.u32 $0x500, s19  }
0x13: {  	s25 =	sshrl.u32 s24, $0x2;
	p2 =	por !p2, !p2;
	p4 =	por !p3, !p3  }
0x14: {  	s18 =	simm.s32 $0x5;
	p3 =	sne.s32 s0, $0x0;
	s19 =	simm.s32 $0xC100  }
0x15: {  	[dreg:$0x8] =	wrdreg s8;
	s8 =	sadd.s32 s16, s3;
	s13 =	sshrl.u32 s11, $0x3  }
0x16: {  	s16 =	sadd.s32 s14, s21;
	s12 =	sshrl.u32 s12, $0x3;
	s26 =	smax.u32 s10, $0x1  }
0x17: {  	p4 =	por !p4, p2;
	[dreg:$0x9] =	wrdreg s8;
	s13 =	sadd.s32 s1, s13  }
0x18: {  	s23 =	sshll.u32 s16, $0x7;
	s14 =	sadd.s32 s14, s15;
	s8 =	smul.u32 $0x48, s20  }
0x19: {  	s12 =	sadd.s32 s2, s12;
	[dreg:$0xf] =	wrdreg s26;
	s26 =	simm.s32 $0x4000  }
0x1a: {  	s20 =	simm.s32 $0x3;
	[dreg:$0xa] =	wrdreg s13;
	s13 =	sadd.s32 s22, s1  }
0x1b: {  	s14 =	sshll.u32 s14, $0x4;
	s12 =	sadd.s32 $0x4780, s12;
	s22 =	simm.s32 $0x400  }
0x1c: {  	s13 =	sadd.s32 $0x270000, s13;
	s14 =	sadd.s32 s2, s14;
	[dreg:$0xd] =	wrdreg s12  }
0x1d: {  	s9 =	sadd.s32 s8, s21;
	s8 =	sadd.s32 s8, s15;
	[dreg:$0xb] =	wrdreg s13  }
0x1e: {  	s21 =	simm.s32 $0x4;
	s13 =	sadd.s32 s23, s3;
	[dreg:$0xc] =	wrdreg s14  }
0x1f: {  	v0 =	vlaneseq.u32;
	v2 =	vimm.f32 $0.0e+00;
	vm0 =	vcmask $0x300;
	s14 =	sadd.s32 s25, s3;
	s9 =	sshll.u32 s9, $0x7;
	s8 =	sshll.u32 s8, $0x4  }
.Ltmp0:
0x20: {  	v10 =	vimm.s32 $0x57F;
	vm1 =	vcmask $0x704;
	v1 =	vmul.u32 $0x8, v0;
	s14 =	sadd.s32 $0xFC00, s14;
	s9 =	sadd.s32 s9, s3;
	(pc) =	sbr.rel .LBB2_1-.Ltmp0, $4  }
0x21: {  	v11 =	vsel vm0, $0x260, v10;
	v12 =	vsel vm0, $0x520, v10;
	vm0 =	vmmov $0xffff;
	s2 =	sadd.s32 s2, s8;
	s0 =	sshrl.u32 @!p3 s13, $0x3;
	s13 =	simm.s32 $0xB900  }
0x22: {  	v10 =	vsel vm1, $0x261, v11;
	v11 =	vsel vm1, $0x521, v12;
	v3 =	vor.u32 $0x1, v1;
	s8 =	simm.s32 $0x0;
	s2 =	sadd.s32 $0x2800, s2;
	[dreg:$0x10] =	wrdreg s0  }
0x23: {  	v4 =	vor.u32 $0x2, v1;
	v5 =	vor.u32 $0x3, v1;
	v6 =	vor.u32 $0x4, v1;
	s0 =	sshrl.u32 @!p4 s14, $0x3;
	s25 =	sshrl.u32 @p2 s9, $0x3;
	[dreg:$0xe] =	wrdreg s2  }
0x24: {  	v7 =	vor.u32 $0x5, v1;
	v8 =	vor.u32 $0x6, v1;
	v9 =	vor.u32 $0x7, v1;
	[dreg:$0x11] =	wrdreg s0;
	s0 =	simm.s32 $0xB100;
	s2 =	simm.s32 $0x2  }
.LBB2_13:
0x25: {  	[bflag:$0x0] =	sbarrier.arrive $0xFFFF  }
0x26: {  	s9 =	sshll.u32 @!p3 s5, $0x6;
	s10 =	rddreg [dreg:$0xc]  }
0x27: {  	s9 =	sor.u32 @!p3 $0x1C05, s9;
	s12 =	rddreg [dreg:$0x10]  }
0x28: {  	[hbm:s10], [sflag:s9] =	dma.local @!p3 [spmem:s12], $0x500  }
0x29: {  	s9 =	simm.s32 @!p3 $0x5  }
0x2a: {  	_ =	swait.ge @!p3 [sflag:s9], $0x500  }
0x2b: {  	s10 =	sshll.u32 @!p4 s5, $0x6;
	[sflag:s9] =	ssyncset.done @!p3 $0x0;
	s12 =	rddreg [dreg:$0x11]  }
0x2c: {  	[sflag:s9] =	ssyncadd.s32 @!p3 $0xFFFFFB00;
	s9 =	sor.u32 @!p4 $0x1C05, s10;
	s10 =	rddreg [dreg:$0xd]  }
0x2d: {  	[hbm:s10], [sflag:s9] =	dma.local @!p4 [spmem:s12], $0x700  }
0x2e: {  	s9 =	simm.s32 @!p4 $0x5  }
0x2f: {  	_ =	swait.ge @!p4 [sflag:s9], $0x700  }
0x30: {  	s10 =	sshll.u32 @p2 s5, $0x6;
	[sflag:s9] =	ssyncset.done @!p4 $0x0  }
0x31: {  	[sflag:s9] =	ssyncadd.s32 @!p4 $0xFFFFF900;
	s9 =	sor.u32 @p2 $0x1C05, s10;
	s10 =	rddreg [dreg:$0xe]  }
0x32: {  	[hbm:s10], [sflag:s9] =	dma.local @p2 [spmem:s25], $0x480  }
0x33: {  	s9 =	simm.s32 @p2 $0x5  }
0x34: {  	_ =	swait.ge @p2 [sflag:s9], $0x480  }
0x35: {  	s8 =	sadd.s32 $0x1, s8;
	s24 =	rddreg [dreg:$0xf]  }
0x36: {  	p5 =	sne.s32 s8, s24  }
.Ltmp1:
0x37: {  	_ = 	snop;
	(pc) =	sbr.rel @!p5 .LBB2_14-.Ltmp1, $3  }
0x38: {  	_ =	sdelay $0x1  }
0x39: {  	[sflag:s9] =	ssyncset.done @p2 $0x0  }
0x3a: {  	[sflag:s9] =	ssyncadd.s32 @p2 $0xFFFFFB80  }
.LBB2_1:
0x3b: {  	s9 =	rddreg [dreg:$0x7]  }
0x3c: {  	[tilespmem:s4], [sflag:$0x5] =	stream.linear.gather [hbm4b:s9+s4], $0x2800, $0x38;
	[tilespmem:$0x12100] =	vst v63  }
0x3d: {  	_ =	swait.ge [sflag:s18], $0x2800  }
0x3e: {  	[sflag:s18] =	ssyncset.done $0x0  }
0x3f: {  	s10 =	simm.s32 $0xA800;
	s17 =	rddreg [dreg:$0x8];
	[sflag:s18] =	ssyncadd.s32 $0xFFFFD800  }
0x40: {  	[tilespmem:s10], [sflag:$0x5] =	stream.linear.gather [hbm4b:s17+s4], $0x80, $0x38;
	[tilespmem:$0x12100] =	vst v63  }
0x41: {  	_ =	swait.ge [sflag:s18], $0x80  }
0x42: {  	[sflag:s18] =	ssyncset.done $0x0  }
0x43: {  	[sflag:s18] =	ssyncadd.s32 $0xFFFFFF80  }
0x44: {  	s24 =	simm.s32 $0xA880;
	s23 =	rddreg [dreg:$0x3]  }
0x45: {  	[tilespmem:s24], [sflag:$0x5] =	stream.linear.gather [hbm4b:s23+s4], $0x80, $0x38;
	[tilespmem:$0x12100] =	vst v63  }
0x46: {  	_ =	swait.ge [sflag:s18], $0x80  }
0x47: {  	[sflag:s18] =	ssyncset.done $0x0  }
0x48: {  	s9 =	simm.s32 $0x0;
	s10 =	simm.s32 $0x200;
	[sflag:s18] =	ssyncadd.s32 $0xFFFFFF80  }
.LBB2_2:
0x49: {  	p5 =	sne.s32 s10, $0xAE00;
	[tilespmem:s9+$0xC970] =	vst v2  }
0x4a: {  	[tilespmem:s9+$0xC900] =	vst v2  }
0x4b: {  	[tilespmem:s9+$0xC910] =	vst v2  }
.Ltmp2:
0x4c: {  	[tilespmem:s9+$0xC920] =	vst v2;
	(pc) =	sbr.rel @p5 .LBB2_2-.Ltmp2, $4  }
0x4d: {  	[tilespmem:s9+$0xC930] =	vst v2  }
0x4e: {  	[tilespmem:s9+$0xC940] =	vst v2  }
0x4f: {  	[tilespmem:s9+$0xC950] =	vst v2  }
0x50: {  	[tilespmem:s9+$0xC960] =	vst v2;
	s9 =	sshra.s32 s10, $0x2;
	s10 =	sadd.s32 $0x200, s10  }
0x51: {  	[tilespmem:s9+$0xC970] =	vst v2  }
0x52: {  	[tilespmem:s9+$0xC900] =	vst v2  }
0x53: {  	[tilespmem:s9+$0xC910] =	vst v2  }
0x54: {  	[tilespmem:s9+$0xC920] =	vst v2  }
0x55: {  	[tilespmem:s9+$0xC930] =	vst v2  }
0x56: {  	[tilespmem:s9+$0xC940] =	vst v2  }
0x57: {  	[tilespmem:s9+$0xC950] =	vst v2  }
0x58: {  	[tilespmem:s9+$0xC960] =	vst v2;
	s23 =	rddreg [dreg:$0x9];
	s10 =	simm.s32 $0xC900  }
0x59: {  	[spmem:s23] =	stream.linear.scatter [tilespmem:s10], [sflag:$0x5], $0x2C00, $0x38;
	[tilespmem:$0x12100] =	vst v63  }
0x5a: {  	_ =	swait.ge [sflag:s18], $0x2C00  }
0x5b: {  	[sflag:s18] =	ssyncset.done $0x0  }
0x5c: {  	[sflag:s18] =	ssyncadd.s32 $0xFFFFD400  }
0x5d: {  	[bflag:$0x0] =	sbarrier.arrive $0xFFFF  }
0x5e: {  	v13 =	vld [tilespmem:$0xA800]  }
0x5f: {  	v14 =	vld [tilespmem:$0xA810]  }
0x60: {  	v15 =	vld [tilespmem:$0xA820]  }
0x61: {  	v12 =	vld [tilespmem:$0xA880]  }
0x62: {  	v16 =	vld [tilespmem:$0xA830]  }
0x63: {  	v17 =	vld [tilespmem:$0xA840]  }
0x64: {  	v18 =	vld [tilespmem:$0xA850]  }
0x65: {  	s9 =	simm.s32 $0x0;
	v19 =	vld [tilespmem:$0xA860];
	s24 =	rddreg [dreg:$0xa]  }
0x66: {  	v20 =	vld [tilespmem:$0xA870];
	[tilespmem:s28], [sflag:$0x1] =	stream.strided.gather [hbm4b:s24+s22], $0x4000, s26, s22, $0x38;
	v12 =	vpsel !p0, $0x0, v12  }
.LBB2_4:
0x67: {  	s10 =	sshllo.u32 s9, $0x1  }
0x68: {  	s12 =	sshll.u32 s10, $0x12  }
0x69: {  	s12 =	sadd.s32 s11, s12  }
0x6a: {  	s12 =	sshrl.u32 s12, $0x3  }
0x6b: {  	s12 =	sadd.s32 s1, s12  }
0x6c: {  	[tilespmem:s29], [sflag:$0x2] =	stream.strided.gather [hbm4b:s12+s22], $0x4000, s26, s22, $0x38;
	[tilespmem:$0x12100] =	vst v63  }
0x6d: {  	_ =	swait.ge [sflag:s30], $0x4000  }
0x6e: {  	p5 =	seq.s32 s9, $0x0;
	[sflag:s30] =	ssyncset.done $0x0  }
0x6f: {  	s12 =	simm.s32 @!p5 $0x3;
	[sflag:s30] =	ssyncadd.s32 $0xFFFFC000  }
0x70: {  	s14 =	simm.s32 $0x0;
	_ =	swait.ge @!p5 [sflag:s12], $0x800  }
0x71: {  	v21 =	vor.u32 s14, v3;
	[sflag:s12] =	ssyncset.done @!p5 $0x0  }
0x72: {  	v22 =	vor.u32 s14, v8;
	[sflag:s12] =	ssyncadd.s32 @!p5 $0xFFFFF800  }
0x73: {  	v23 =	vor.u32 s14, v1;
	_ =	swait.ge @!p5 [sflag:s12], $0x800  }
0x74: {  	v24 =	vor.u32 s14, v6;
	[sflag:s12] =	ssyncset.done @!p5 $0x0  }
0x75: {  	v25 =	vor.u32 s14, v9;
	[sflag:s12] =	ssyncadd.s32 @!p5 $0xFFFFF800  }
0x76: {  	v26 =	vor.u32 s14, v7;
	v21 =	vld.idx.msk [tilespmem:v21+s28+$0x0], $0xffff  }
0x77: {  	v27 =	vor.u32 s14, v4;
	v22 =	vld.idx.msk [tilespmem:v22+s28+$0x0], $0xffff  }
0x78: {  	v28 =	vor.u32 s14, v5;
	v23 =	vld.idx.msk [tilespmem:v23+s28+$0x0], $0xffff  }
0x79: {  	v24 =	vld.idx.msk [tilespmem:v24+s28+$0x0], $0xffff  }
0x7a: {  	v25 =	vld.idx.msk [tilespmem:v25+s28+$0x0], $0xffff  }
0x7b: {  	v26 =	vld.idx.msk [tilespmem:v26+s28+$0x0], $0xffff  }
0x7c: {  	v27 =	vld.idx.msk [tilespmem:v27+s28+$0x0], $0xffff  }
0x7d: {  	v28 =	vld.idx.msk [tilespmem:v28+s28+$0x0], $0xffff  }
0x7e: {  	v29 =	vld.idx.msk [tilespmem:v21+s4+$0x0], $0xffff  }
0x7f: {  	v30 =	vld.idx.msk [tilespmem:v22+s4+$0x0], $0xffff  }
0x80: {  	v23 =	vld.idx.msk [tilespmem:v23+s4+$0x0], $0xffff  }
0x81: {  	v31 =	vld.idx.msk [tilespmem:v24+s4+$0x0], $0xffff  }
0x82: {  	v32 =	vld.idx.msk [tilespmem:v25+s4+$0x0], $0xffff  }
0x83: {  	v26 =	vld.idx.msk [tilespmem:v26+s4+$0x0], $0xffff  }
0x84: {  	v27 =	vld.idx.msk [tilespmem:v27+s4+$0x0], $0xffff  }
0x85: {  	v28 =	vld.idx.msk [tilespmem:v28+s4+$0x0], $0xffff;
	v21 =	vshll.u32 v29, $0x10  }
0x86: {  	v22 =	vmul.f32 v30, v19;
	v24 =	vshll.u32 v30, $0x10;
	v33 =	vmul.f32 v23, v13  }
0x87: {  	v34 =	vmul.f32 v29, v14;
	v23 =	vshll.u32 v23, $0x10;
	v25 =	vmul.f32 v32, v20  }
0x88: {  	v29 =	vshll.u32 v31, $0x10;
	v30 =	vmul.f32 v31, v17;
	v31 =	vmul.f32 v26, v18  }
0x89: {  	v63 =	vshll.u32 v26, $0x10;
	v36 =	vmul.f32 v27, v15;
	v27 =	vshll.u32 v27, $0x10  }
0x8a: {  	v38 =	vmul.f32 v28, v16;
	v28 =	vshll.u32 v28, $0x10;
	v21 =	vmul.f32 v21, v14  }
0x8b: {  	v35 =	vmul.f32 v24, v19;
	v24 =	vmul.f32 v29, v17;
	v29 =	vshll.u32 v32, $0x10  }
0x8c: {  	v23 =	vmul.f32 v23, v13;
	v37 =	vmul.f32 v29, v20;
	v26 =	vadd.f32 v31, v30  }
0x8d: {  	s16 =	simm.s32 $0xA900;
	s17 =	simm.s32 $0xB100;
	s23 =	simm.s32 $0x1;
	v29 =	vmul.f32 v27, v15;
	v30 =	vmul.f32 v28, v16;
	v28 =	vadd.f32 v34, v33  }
0x8e: {  	s15 =	simm.s32 $0xB100;
	s14 =	simm.s32 $0xA900;
	s12 =	sshll.u32 s9, $0x1;
	v31 =	vmul.f32 v63, v18;
	v32 =	vadd.f32 v38, v36;
	v27 =	vadd.f32 v37, v35  }
.LBB2_5:
0x8f: {  	p6 =	sne.s32 s23, $0x7F;
	v22 =	vadd.f32 v25, v22;
	v25 =	vadd.f32 v30, v29;
	s16 =	sadd.s32 $0x10, s16;
	s17 =	sadd.s32 $0x10, s17  }
0x90: {  	s24 =	smov.u32 s23;
	s23 =	sadd.s32 $0x1, s23;
	v28 =	vadd.f32 v32, v28;
	v24 =	vadd.f32 v31, v24  }
0x91: {  	v21 =	vadd.f32 v21, v23  }
0x92: {  	v22 =	vadd.f32 v22, v26;
	v23 =	vadd.f32 v27, v24  }
0x93: {  	s24 =	sshll.u32 s24, $0x7;
	v21 =	vadd.f32 v25, v21  }
0x94: {  	v25 =	vor.u32 s24, v3;
	v24 =	vor.u32 s24, v1;
	v22 =	vadd.f32 v22, v28  }
0x95: {  	v26 =	vor.u32 s24, v4;
	v27 =	vor.u32 s24, v5;
	v21 =	vadd.f32 v23, v21  }
0x96: {  	v28 =	vor.u32 s24, v8;
	v23 =	vor.u32 s24, v7;
	v22 =	vadd.f32 v22, v12  }
0x97: {  	v29 =	vor.u32 s24, v6;
	v21 =	vadd.f32 v21, v12  }
0x98: {  	v30 =	vor.u32 s24, v9;
	[tilespmem:s14+$0x0] =	vst v22;
	s14 =	smov.u32 s16  }
0x99: {  	[tilespmem:s15+$0x0] =	vst v21;
	s15 =	smov.u32 s17  }
0x9a: {  	v21 =	vld.idx.msk [tilespmem:v25+s28+$0x0], $0xffff  }
0x9b: {  	v22 =	vld.idx.msk [tilespmem:v28+s28+$0x0], $0xffff  }
0x9c: {  	v24 =	vld.idx.msk [tilespmem:v24+s28+$0x0], $0xffff  }
0x9d: {  	v25 =	vld.idx.msk [tilespmem:v29+s28+$0x0], $0xffff  }
0x9e: {  	v28 =	vld.idx.msk [tilespmem:v30+s28+$0x0], $0xffff  }
0x9f: {  	v23 =	vld.idx.msk [tilespmem:v23+s28+$0x0], $0xffff  }
0xa0: {  	v26 =	vld.idx.msk [tilespmem:v26+s28+$0x0], $0xffff  }
0xa1: {  	v27 =	vld.idx.msk [tilespmem:v27+s28+$0x0], $0xffff  }
0xa2: {  	v29 =	vld.idx.msk [tilespmem:v21+s4+$0x0], $0xffff  }
0xa3: {  	v30 =	vld.idx.msk [tilespmem:v22+s4+$0x0], $0xffff  }
0xa4: {  	v24 =	vld.idx.msk [tilespmem:v24+s4+$0x0], $0xffff  }
0xa5: {  	v31 =	vld.idx.msk [tilespmem:v25+s4+$0x0], $0xffff  }
0xa6: {  	v28 =	vld.idx.msk [tilespmem:v28+s4+$0x0], $0xffff  }
0xa7: {  	v32 =	vld.idx.msk [tilespmem:v23+s4+$0x0], $0xffff  }
0xa8: {  	v21 =	vshll.u32 v29, $0x10;
	v26 =	vld.idx.msk [tilespmem:v26+s4+$0x0], $0xffff  }
0xa9: {  	v22 =	vmul.f32 v30, v19;
	v21 =	vmul.f32 v21, v14;
	v25 =	vshll.u32 v30, $0x10;
	v27 =	vld.idx.msk [tilespmem:v27+s4+$0x0], $0xffff  }
0xaa: {  	v34 =	vmul.f32 v29, v14;
	v33 =	vmul.f32 v24, v13;
	v23 =	vshll.u32 v24, $0x10  }
0xab: {  	v35 =	vmul.f32 v25, v19;
	v23 =	vmul.f32 v23, v13;
	v24 =	vshll.u32 v31, $0x10  }
0xac: {  	v25 =	vmul.f32 v28, v20;
	v24 =	vmul.f32 v24, v17;
	v28 =	vshll.u32 v28, $0x10  }
.Ltmp3:
0xad: {  	v29 =	vmul.f32 v31, v17;
	v30 =	vmul.f32 v32, v18;
	v31 =	vshll.u32 v32, $0x10;
	(pc) =	sbr.rel @p6 .LBB2_5-.Ltmp3, $4  }
0xae: {  	v37 =	vmul.f32 v28, v20;
	v32 =	vmul.f32 v26, v15;
	v36 =	vshll.u32 v26, $0x10  }
0xaf: {  	v38 =	vmul.f32 v27, v16;
	v27 =	vshll.u32 v27, $0x10;
	v26 =	vadd.f32 v30, v29  }
0xb0: {  	v28 =	vadd.f32 v34, v33;
	v29 =	vmul.f32 v36, v15;
	v30 =	vmul.f32 v27, v16  }
0xb1: {  	v31 =	vmul.f32 v31, v18;
	v27 =	vadd.f32 v37, v35;
	v32 =	vadd.f32 v38, v32  }
0xb2: {  	v22 =	vadd.f32 v25, v22;
	v25 =	vadd.f32 v30, v29  }
0xb3: {  	v21 =	vadd.f32 v21, v23;
	v24 =	vadd.f32 v31, v24  }
0xb4: {  	v23 =	vadd.f32 v32, v28;
	v22 =	vadd.f32 v22, v26  }
0xb5: {  	v21 =	vadd.f32 v25, v21;
	v24 =	vadd.f32 v27, v24  }
0xb6: {  	s16 =	sshll.u32 s9, $0x5;
	v22 =	vadd.f32 v22, v23  }
0xb7: {  	s12 =	sadd.s32 $0x2, s12;
	v23 =	vor.u32 s16, v0;
	v21 =	vadd.f32 v24, v21  }
0xb8: {  	p6 =	sge.u32 s12, s6;
	s16 =	sadd.s32 $0x2C0, s16;
	v22 =	vadd.f32 v22, v12  }
0xb9: {  	s12 =	sshll.u32 @!p6 s12, $0x12;
	v24 =	vor.u32 s16, v0;
	v21 =	vadd.f32 v21, v12  }
0xba: {  	s12 =	sadd.s32 @!p6 s11, s12;
	[tilespmem:s14+$0x0] =	vst v22  }
0xbb: {  	s12 =	sshrl.u32 @!p6 s12, $0x3;
	[tilespmem:s15+$0x0] =	vst v21  }
0xbc: {  	[spmem:s3] =	stream.indirect_vreg.scatter.add.f32 [tilespmem:s31], [sflag:$0x3], $0x80, v23, vm0, $0xb8;
	[tilespmem:$0x12100] =	vst v63  }
0xbd: {  	s12 =	sadd.s32 @!p6 s1, s12  }
0xbe: {  	[spmem:s3] =	stream.indirect_vreg.scatter.add.f32 [tilespmem:s0], [sflag:$0x3], $0x80, v24, vm0, $0xb8;
	[tilespmem:$0x12100] =	vst v63  }
0xbf: {  	s16 =	simm.s32 @!p6 $0x2800;
	s14 =	simm.s32 @!p6 $0x400;
	s15 =	simm.s32 @!p6 $0x4000  }
0xc0: {  	[tilespmem:s16], [sflag:$0x1] =	stream.strided.gather @!p6 [hbm4b:s12+s14], $0x4000, s15, s14, $0x38;
	[tilespmem:$0x12100] =	vst v63  }
0xc1: {  	_ =	swait.ge [sflag:s2], $0x4000  }
0xc2: {  	[sflag:s2] =	ssyncset.done $0x0  }
0xc3: {  	s12 =	simm.s32 @!p5 $0x4;
	[sflag:s2] =	ssyncadd.s32 $0xFFFFC000  }
0xc4: {  	s24 =	simm.s32 $0x0;
	_ =	swait.ge @!p5 [sflag:s12], $0x800  }
0xc5: {  	v21 =	vor.u32 s24, v3;
	[sflag:s12] =	ssyncset.done @!p5 $0x0  }
0xc6: {  	v22 =	vor.u32 s24, v8;
	[sflag:s12] =	ssyncadd.s32 @!p5 $0xFFFFF800  }
0xc7: {  	v23 =	vor.u32 s24, v1;
	_ =	swait.ge @!p5 [sflag:s12], $0x800  }
0xc8: {  	v24 =	vor.u32 s24, v6;
	[sflag:s12] =	ssyncset.done @!p5 $0x0  }
0xc9: {  	v25 =	vor.u32 s24, v9;
	[sflag:s12] =	ssyncadd.s32 @!p5 $0xFFFFF800  }
0xca: {  	v26 =	vor.u32 s24, v7;
	v21 =	vld.idx.msk [tilespmem:v21+s29+$0x0], $0xffff  }
0xcb: {  	v27 =	vor.u32 s24, v4;
	v22 =	vld.idx.msk [tilespmem:v22+s29+$0x0], $0xffff  }
0xcc: {  	v28 =	vor.u32 s24, v5;
	v23 =	vld.idx.msk [tilespmem:v23+s29+$0x0], $0xffff  }
0xcd: {  	v24 =	vld.idx.msk [tilespmem:v24+s29+$0x0], $0xffff  }
0xce: {  	v25 =	vld.idx.msk [tilespmem:v25+s29+$0x0], $0xffff  }
0xcf: {  	v26 =	vld.idx.msk [tilespmem:v26+s29+$0x0], $0xffff  }
0xd0: {  	v27 =	vld.idx.msk [tilespmem:v27+s29+$0x0], $0xffff  }
0xd1: {  	v28 =	vld.idx.msk [tilespmem:v28+s29+$0x0], $0xffff  }
0xd2: {  	v29 =	vld.idx.msk [tilespmem:v21+s4+$0x0], $0xffff  }
0xd3: {  	v30 =	vld.idx.msk [tilespmem:v22+s4+$0x0], $0xffff  }
0xd4: {  	v23 =	vld.idx.msk [tilespmem:v23+s4+$0x0], $0xffff  }
0xd5: {  	v31 =	vld.idx.msk [tilespmem:v24+s4+$0x0], $0xffff  }
0xd6: {  	v62 =	vld.idx.msk [tilespmem:v25+s4+$0x0], $0xffff  }
0xd7: {  	v26 =	vld.idx.msk [tilespmem:v26+s4+$0x0], $0xffff  }
0xd8: {  	v27 =	vld.idx.msk [tilespmem:v27+s4+$0x0], $0xffff  }
0xd9: {  	v28 =	vld.idx.msk [tilespmem:v28+s4+$0x0], $0xffff;
	v21 =	vshll.u32 v29, $0x10  }
0xda: {  	v22 =	vmul.f32 v30, v19;
	v24 =	vshll.u32 v30, $0x10;
	v33 =	vmul.f32 v23, v13  }
0xdb: {  	v34 =	vmul.f32 v29, v14;
	v23 =	vshll.u32 v23, $0x10;
	v25 =	vmul.f32 v62, v20  }
0xdc: {  	v29 =	vshll.u32 v31, $0x10;
	v30 =	vmul.f32 v31, v17;
	v31 =	vmul.f32 v26, v18  }
0xdd: {  	v63 =	vshll.u32 v26, $0x10;
	v36 =	vmul.f32 v27, v15;
	v27 =	vshll.u32 v27, $0x10  }
0xde: {  	v38 =	vmul.f32 v28, v16;
	v28 =	vshll.u32 v28, $0x10;
	v21 =	vmul.f32 v21, v14  }
0xdf: {  	v35 =	vmul.f32 v24, v19;
	v24 =	vmul.f32 v29, v17;
	v29 =	vshll.u32 v62, $0x10  }
0xe0: {  	v23 =	vmul.f32 v23, v13;
	v37 =	vmul.f32 v29, v20;
	v26 =	vadd.f32 v31, v30  }
0xe1: {  	s17 =	simm.s32 $0x1;
	s15 =	simm.s32 $0xB900;
	v29 =	vmul.f32 v27, v15;
	v30 =	vmul.f32 v28, v16;
	v28 =	vadd.f32 v34, v33  }
0xe2: {  	s16 =	simm.s32 $0xC100;
	s14 =	simm.s32 $0xC100;
	s12 =	simm.s32 $0xB900;
	v31 =	vmul.f32 v63, v18;
	v32 =	vadd.f32 v38, v36;
	v27 =	vadd.f32 v37, v35  }
.LBB2_7:
0xe3: {  	p5 =	sne.s32 s17, $0x7F;
	v22 =	vadd.f32 v25, v22;
	v25 =	vadd.f32 v30, v29;
	s15 =	sadd.s32 $0x10, s15;
	s16 =	sadd.s32 $0x10, s16  }
0xe4: {  	s23 =	smov.u32 s17;
	s17 =	sadd.s32 $0x1, s17;
	v28 =	vadd.f32 v32, v28;
	v24 =	vadd.f32 v31, v24  }
0xe5: {  	v21 =	vadd.f32 v21, v23  }
0xe6: {  	v22 =	vadd.f32 v22, v26;
	v23 =	vadd.f32 v27, v24  }
0xe7: {  	s23 =	sshll.u32 s23, $0x7;
	v21 =	vadd.f32 v25, v21  }
0xe8: {  	v25 =	vor.u32 s23, v3;
	v24 =	vor.u32 s23, v1;
	v22 =	vadd.f32 v22, v28  }
0xe9: {  	v26 =	vor.u32 s23, v4;
	v27 =	vor.u32 s23, v5;
	v21 =	vadd.f32 v23, v21  }
0xea: {  	v28 =	vor.u32 s23, v8;
	v23 =	vor.u32 s23, v7;
	v22 =	vadd.f32 v22, v12  }
0xeb: {  	v29 =	vor.u32 s23, v6;
	v21 =	vadd.f32 v21, v12  }
0xec: {  	v30 =	vor.u32 s23, v9;
	[tilespmem:s12+$0x0] =	vst v22;
	s12 =	smov.u32 s15  }
0xed: {  	[tilespmem:s14+$0x0] =	vst v21;
	s14 =	smov.u32 s16  }
0xee: {  	v21 =	vld.idx.msk [tilespmem:v25+s29+$0x0], $0xffff  }
0xef: {  	v22 =	vld.idx.msk [tilespmem:v28+s29+$0x0], $0xffff  }
0xf0: {  	v24 =	vld.idx.msk [tilespmem:v24+s29+$0x0], $0xffff  }
0xf1: {  	v25 =	vld.idx.msk [tilespmem:v29+s29+$0x0], $0xffff  }
0xf2: {  	v28 =	vld.idx.msk [tilespmem:v30+s29+$0x0], $0xffff  }
0xf3: {  	v23 =	vld.idx.msk [tilespmem:v23+s29+$0x0], $0xffff  }
0xf4: {  	v26 =	vld.idx.msk [tilespmem:v26+s29+$0x0], $0xffff  }
0xf5: {  	v27 =	vld.idx.msk [tilespmem:v27+s29+$0x0], $0xffff  }
0xf6: {  	v29 =	vld.idx.msk [tilespmem:v21+s4+$0x0], $0xffff  }
0xf7: {  	v30 =	vld.idx.msk [tilespmem:v22+s4+$0x0], $0xffff  }
0xf8: {  	v24 =	vld.idx.msk [tilespmem:v24+s4+$0x0], $0xffff  }
0xf9: {  	v31 =	vld.idx.msk [tilespmem:v25+s4+$0x0], $0xffff  }
0xfa: {  	v28 =	vld.idx.msk [tilespmem:v28+s4+$0x0], $0xffff  }
0xfb: {  	v32 =	vld.idx.msk [tilespmem:v23+s4+$0x0], $0xffff  }
0xfc: {  	v21 =	vshll.u32 v29, $0x10;
	v26 =	vld.idx.msk [tilespmem:v26+s4+$0x0], $0xffff  }
0xfd: {  	v22 =	vmul.f32 v30, v19;
	v21 =	vmul.f32 v21, v14;
	v25 =	vshll.u32 v30, $0x10;
	v27 =	vld.idx.msk [tilespmem:v27+s4+$0x0], $0xffff  }
0xfe: {  	v34 =	vmul.f32 v29, v14;
	v33 =	vmul.f32 v24, v13;
	v23 =	vshll.u32 v24, $0x10  }
0xff: {  	v35 =	vmul.f32 v25, v19;
	v23 =	vmul.f32 v23, v13;
	v24 =	vshll.u32 v31, $0x10  }
0x100: {  	v25 =	vmul.f32 v28, v20;
	v24 =	vmul.f32 v24, v17;
	v28 =	vshll.u32 v28, $0x10  }
.Ltmp4:
0x101: {  	v29 =	vmul.f32 v31, v17;
	v30 =	vmul.f32 v32, v18;
	v31 =	vshll.u32 v32, $0x10;
	(pc) =	sbr.rel @p5 .LBB2_7-.Ltmp4, $4  }
0x102: {  	v37 =	vmul.f32 v28, v20;
	v32 =	vmul.f32 v26, v15;
	v36 =	vshll.u32 v26, $0x10  }
0x103: {  	v38 =	vmul.f32 v27, v16;
	v27 =	vshll.u32 v27, $0x10;
	v26 =	vadd.f32 v30, v29  }
0x104: {  	v28 =	vadd.f32 v34, v33;
	v29 =	vmul.f32 v36, v15;
	v30 =	vmul.f32 v27, v16  }
0x105: {  	v31 =	vmul.f32 v31, v18;
	v27 =	vadd.f32 v37, v35;
	v32 =	vadd.f32 v38, v32  }
0x106: {  	v22 =	vadd.f32 v25, v22;
	v62 =	vadd.f32 v30, v29  }
0x107: {  	v21 =	vadd.f32 v21, v23;
	v24 =	vadd.f32 v31, v24  }
0x108: {  	v23 =	vadd.f32 v32, v28;
	v22 =	vadd.f32 v22, v26  }
0x109: {  	v21 =	vadd.f32 v62, v21;
	v24 =	vadd.f32 v27, v24  }
0x10a: {  	s10 =	sshll.u32 s10, $0x4;
	v22 =	vadd.f32 v22, v23  }
0x10b: {  	v23 =	vor.u32 s10, v0;
	v21 =	vadd.f32 v24, v21  }
0x10c: {  	s9 =	sadd.s32 $0x1, s9;
	s10 =	sadd.s32 $0x2C0, s10;
	v22 =	vadd.f32 v22, v12  }
0x10d: {  	p5 =	sne.s32 s9, s7;
	v63 =	vor.u32 s10, v0;
	v21 =	vadd.f32 v21, v12  }
.Ltmp5:
0x10e: {  	[tilespmem:s12+$0x0] =	vst v22;
	(pc) =	sbr.rel @p5 .LBB2_4-.Ltmp5, $4  }
0x10f: {  	[tilespmem:s14+$0x0] =	vst v21  }
0x110: {  	[spmem:s3] =	stream.indirect_vreg.scatter.add.f32 [tilespmem:s13], [sflag:$0x4], $0x80, v23, vm0, $0xb8;
	[tilespmem:$0x12100] =	vst v63  }
0x111: {  	_ = 	snop  }
0x112: {  	[spmem:s3] =	stream.indirect_vreg.scatter.add.f32 [tilespmem:s19], [sflag:$0x4], $0x80, v63, vm0, $0xb8;
	[tilespmem:$0x12100] =	vst v63  }
0x113: {  	_ =	swait.ge [sflag:s20], $0x800  }
0x114: {  	[sflag:s20] =	ssyncset.done $0x0  }
0x115: {  	[sflag:s20] =	ssyncadd.s32 $0xFFFFF800  }
0x116: {  	_ =	swait.ge [sflag:s20], $0x800  }
0x117: {  	[sflag:s20] =	ssyncset.done $0x0  }
0x118: {  	[sflag:s20] =	ssyncadd.s32 $0xFFFFF800  }
0x119: {  	_ =	swait.ge [sflag:s21], $0x800  }
.Ltmp6:
0x11a: {  	[sflag:s21] =	ssyncset.done $0x0;
	(pc) =	sbr.rel @!p1 .LBB2_13-.Ltmp6, $4  }
0x11b: {  	[sflag:s21] =	ssyncadd.s32 $0xFFFFF800  }
0x11c: {  	_ =	swait.ge [sflag:s21], $0x800  }
0x11d: {  	[sflag:s21] =	ssyncset.done $0x0  }
0x11e: {  	[sflag:s21] =	ssyncadd.s32 $0xFFFFF800  }
0x11f: {  	s9 =	simm.s32 $0x0  }
0x120: {  	s10 =	rddreg [dreg:$0xb];
	v21 =	vor.u32 s9, v3  }
0x121: {  	[tilespmem:s28], [sflag:$0x5] =	stream.strided.gather [hbm4b:s10+s22], $0x800, s26, s22, $0x38;
	v22 =	vor.u32 s9, v8;
	[tilespmem:$0x12100] =	vst v63  }
0x122: {  	v23 =	vor.u32 s9, v1;
	_ =	swait.ge [sflag:s18], $0x800  }
0x123: {  	v24 =	vor.u32 s9, v6;
	[sflag:s18] =	ssyncset.done $0x0  }
0x124: {  	v25 =	vor.u32 s9, v9;
	[sflag:s18] =	ssyncadd.s32 $0xFFFFF800  }
0x125: {  	v26 =	vor.u32 s9, v7;
	v21 =	vld.idx.msk [tilespmem:v21+s28+$0x0], $0xffff  }
0x126: {  	v27 =	vor.u32 s9, v4;
	v22 =	vld.idx.msk [tilespmem:v22+s28+$0x0], $0xffff  }
0x127: {  	v28 =	vor.u32 s9, v5;
	v23 =	vld.idx.msk [tilespmem:v23+s28+$0x0], $0xffff  }
0x128: {  	v24 =	vld.idx.msk [tilespmem:v24+s28+$0x0], $0xffff  }
0x129: {  	v25 =	vld.idx.msk [tilespmem:v25+s28+$0x0], $0xffff  }
0x12a: {  	v26 =	vld.idx.msk [tilespmem:v26+s28+$0x0], $0xffff  }
0x12b: {  	v27 =	vld.idx.msk [tilespmem:v27+s28+$0x0], $0xffff  }
0x12c: {  	v28 =	vld.idx.msk [tilespmem:v28+s28+$0x0], $0xffff  }
0x12d: {  	v29 =	vld.idx.msk [tilespmem:v21+s4+$0x0], $0xffff  }
0x12e: {  	v30 =	vld.idx.msk [tilespmem:v22+s4+$0x0], $0xffff  }
0x12f: {  	v23 =	vld.idx.msk [tilespmem:v23+s4+$0x0], $0xffff  }
0x130: {  	v31 =	vld.idx.msk [tilespmem:v24+s4+$0x0], $0xffff  }
0x131: {  	v32 =	vld.idx.msk [tilespmem:v25+s4+$0x0], $0xffff  }
0x132: {  	v26 =	vld.idx.msk [tilespmem:v26+s4+$0x0], $0xffff  }
0x133: {  	v27 =	vld.idx.msk [tilespmem:v27+s4+$0x0], $0xffff  }
0x134: {  	v28 =	vld.idx.msk [tilespmem:v28+s4+$0x0], $0xffff;
	v21 =	vshll.u32 v29, $0x10  }
0x135: {  	v22 =	vmul.f32 v30, v19;
	v24 =	vshll.u32 v30, $0x10;
	v33 =	vmul.f32 v23, v13  }
0x136: {  	v34 =	vmul.f32 v29, v14;
	v23 =	vshll.u32 v23, $0x10;
	v25 =	vmul.f32 v32, v20  }
0x137: {  	v29 =	vshll.u32 v31, $0x10;
	v30 =	vmul.f32 v31, v17;
	v31 =	vmul.f32 v26, v18  }
0x138: {  	v63 =	vshll.u32 v26, $0x10;
	v36 =	vmul.f32 v27, v15;
	v27 =	vshll.u32 v27, $0x10  }
0x139: {  	v38 =	vmul.f32 v28, v16;
	v28 =	vshll.u32 v28, $0x10;
	v21 =	vmul.f32 v21, v14  }
0x13a: {  	v35 =	vmul.f32 v24, v19;
	v24 =	vmul.f32 v29, v17;
	v29 =	vshll.u32 v32, $0x10  }
0x13b: {  	v23 =	vmul.f32 v23, v13;
	v37 =	vmul.f32 v29, v20;
	v26 =	vadd.f32 v31, v30  }
0x13c: {  	s12 =	simm.s32 $0xA900;
	s14 =	simm.s32 $0xB100;
	v29 =	vmul.f32 v27, v15;
	v30 =	vmul.f32 v28, v16;
	v28 =	vadd.f32 v34, v33  }
0x13d: {  	s15 =	simm.s32 $0x1;
	s9 =	simm.s32 $0xA900;
	s10 =	simm.s32 $0xB100;
	v31 =	vmul.f32 v63, v18;
	v32 =	vadd.f32 v38, v36;
	v27 =	vadd.f32 v37, v35  }
.LBB2_11:
0x13e: {  	p5 =	sne.s32 s15, $0xF;
	v22 =	vadd.f32 v25, v22;
	v25 =	vadd.f32 v30, v29;
	s12 =	sadd.s32 $0x10, s12;
	s14 =	sadd.s32 $0x10, s14  }
0x13f: {  	s16 =	smov.u32 s15;
	s15 =	sadd.s32 $0x1, s15;
	v28 =	vadd.f32 v32, v28;
	v24 =	vadd.f32 v31, v24  }
0x140: {  	v21 =	vadd.f32 v21, v23  }
0x141: {  	v22 =	vadd.f32 v22, v26;
	v23 =	vadd.f32 v27, v24  }
0x142: {  	s16 =	sshll.u32 s16, $0x7;
	v21 =	vadd.f32 v25, v21  }
0x143: {  	v25 =	vor.u32 s16, v3;
	v24 =	vor.u32 s16, v1;
	v22 =	vadd.f32 v22, v28  }
0x144: {  	v26 =	vor.u32 s16, v4;
	v27 =	vor.u32 s16, v5;
	v21 =	vadd.f32 v23, v21  }
0x145: {  	v28 =	vor.u32 s16, v8;
	v23 =	vor.u32 s16, v7;
	v22 =	vadd.f32 v22, v12  }
0x146: {  	v29 =	vor.u32 s16, v6;
	v21 =	vadd.f32 v21, v12  }
0x147: {  	v30 =	vor.u32 s16, v9;
	[tilespmem:s9+$0x0] =	vst v22;
	s9 =	smov.u32 s12  }
0x148: {  	[tilespmem:s10+$0x0] =	vst v21;
	s10 =	smov.u32 s14  }
0x149: {  	v21 =	vld.idx.msk [tilespmem:v25+s28+$0x0], $0xffff  }
0x14a: {  	v22 =	vld.idx.msk [tilespmem:v28+s28+$0x0], $0xffff  }
0x14b: {  	v24 =	vld.idx.msk [tilespmem:v24+s28+$0x0], $0xffff  }
0x14c: {  	v25 =	vld.idx.msk [tilespmem:v29+s28+$0x0], $0xffff  }
0x14d: {  	v28 =	vld.idx.msk [tilespmem:v30+s28+$0x0], $0xffff  }
0x14e: {  	v23 =	vld.idx.msk [tilespmem:v23+s28+$0x0], $0xffff  }
0x14f: {  	v26 =	vld.idx.msk [tilespmem:v26+s28+$0x0], $0xffff  }
0x150: {  	v27 =	vld.idx.msk [tilespmem:v27+s28+$0x0], $0xffff  }
0x151: {  	v29 =	vld.idx.msk [tilespmem:v21+s4+$0x0], $0xffff  }
0x152: {  	v30 =	vld.idx.msk [tilespmem:v22+s4+$0x0], $0xffff  }
0x153: {  	v24 =	vld.idx.msk [tilespmem:v24+s4+$0x0], $0xffff  }
0x154: {  	v31 =	vld.idx.msk [tilespmem:v25+s4+$0x0], $0xffff  }
0x155: {  	v28 =	vld.idx.msk [tilespmem:v28+s4+$0x0], $0xffff  }
0x156: {  	v32 =	vld.idx.msk [tilespmem:v23+s4+$0x0], $0xffff  }
0x157: {  	v21 =	vshll.u32 v29, $0x10;
	v26 =	vld.idx.msk [tilespmem:v26+s4+$0x0], $0xffff  }
0x158: {  	v22 =	vmul.f32 v30, v19;
	v21 =	vmul.f32 v21, v14;
	v25 =	vshll.u32 v30, $0x10;
	v27 =	vld.idx.msk [tilespmem:v27+s4+$0x0], $0xffff  }
0x159: {  	v34 =	vmul.f32 v29, v14;
	v33 =	vmul.f32 v24, v13;
	v23 =	vshll.u32 v24, $0x10  }
0x15a: {  	v35 =	vmul.f32 v25, v19;
	v23 =	vmul.f32 v23, v13;
	v24 =	vshll.u32 v31, $0x10  }
0x15b: {  	v25 =	vmul.f32 v28, v20;
	v24 =	vmul.f32 v24, v17;
	v28 =	vshll.u32 v28, $0x10  }
.Ltmp7:
0x15c: {  	v29 =	vmul.f32 v31, v17;
	v30 =	vmul.f32 v32, v18;
	v31 =	vshll.u32 v32, $0x10;
	(pc) =	sbr.rel @p5 .LBB2_11-.Ltmp7, $4  }
0x15d: {  	v37 =	vmul.f32 v28, v20;
	v32 =	vmul.f32 v26, v15;
	v36 =	vshll.u32 v26, $0x10  }
0x15e: {  	v38 =	vmul.f32 v27, v16;
	v27 =	vshll.u32 v27, $0x10;
	v26 =	vadd.f32 v30, v29  }
0x15f: {  	v28 =	vadd.f32 v34, v33;
	v29 =	vmul.f32 v36, v15;
	v30 =	vmul.f32 v27, v16  }
0x160: {  	v31 =	vmul.f32 v31, v18;
	v27 =	vadd.f32 v37, v35;
	v32 =	vadd.f32 v38, v32  }
0x161: {  	v13 =	vadd.f32 v25, v22;
	v14 =	vadd.f32 v30, v29  }
0x162: {  	v16 =	vadd.f32 v21, v23;
	v15 =	vadd.f32 v31, v24  }
0x163: {  	v17 =	vadd.f32 v32, v28;
	v13 =	vadd.f32 v13, v26  }
0x164: {  	v14 =	vadd.f32 v14, v16;
	v15 =	vadd.f32 v27, v15  }
0x165: {  	v13 =	vadd.f32 v13, v17  }
0x166: {  	v14 =	vadd.f32 v15, v14  }
0x167: {  	v13 =	vadd.f32 v13, v12  }
0x168: {  	v63 =	vadd.f32 v14, v12  }
0x169: {  	[tilespmem:s9+$0x0] =	vst v13  }
0x16a: {  	[tilespmem:s10+$0x0] =	vst v63  }
0x16b: {  	[spmem:s3] =	stream.indirect_vreg.scatter.add.f32 [tilespmem:s31], [sflag:$0x5], $0x80, v10, vm0, $0xb8;
	[tilespmem:$0x12100] =	vst v63  }
0x16c: {  	_ =	swait.ge [sflag:s18], $0x800  }
0x16d: {  	[sflag:s18] =	ssyncset.done $0x0  }
.Ltmp8:
0x16e: {  	[sflag:s18] =	ssyncadd.s32 $0xFFFFF800;
	(pc) =	sbr.rel .LBB2_13-.Ltmp8, $4  }
0x16f: {  	[spmem:s3] =	stream.indirect_vreg.scatter.add.f32 [tilespmem:s0], [sflag:$0x5], $0x80, v11, vm0, $0xb8;
	[tilespmem:$0x12100] =	vst v63  }
0x170: {  	_ =	swait.ge [sflag:s18], $0x800  }
0x171: {  	[sflag:s18] =	ssyncset.done $0x0  }
0x172: {  	[sflag:s18] =	ssyncadd.s32 $0xFFFFF800  }
.LBB2_14:
0x173: {  	_ =	sfence.sel $0x180000  }
0x174: {  	[bflag:$0x0] =	sbarrier.arrive $0xFFFF  }
0x175: {  	_ =	strace $0x90000047  }
0x176: {  	[bflag:$0x2] =	sbarrier.arrive $0xFFFF  }
0x177: {  	p0 =	sne.s32 s5, $0x0;
	s0 =	rddreg [dreg:$0x6]  }
0x178: {  	s0 =	sadd.s32 @!p0 $0x100000, s0  }
0x179: {  	[sflag:s0] =	ssyncadd.tile.s32 @!p0 $0x1;
	_ =	shalt  }
.Lfunc_end2:
_tile_overlayer_lowered:
.L_overlay_start_2:
0x17a: {  	(tag) =	ssettag $0x2  }
0x17b: {  	s0 =	rddreg [dreg:$0x0];
	s2 =	stileid.u32  }
0x17c: {  	s1 =	rddreg [dreg:$0x1];
	p0 =	sne.s32 s2, $0x0  }
0x17d: {  	s3 =	rddreg [dreg:$0x2];
	[bflag:$0x3] =	sbarrier.arrive $0xFFFF;
	s2 =	simm.s32 @!p0 $0x1C05  }
0x17e: {  	[timem:s3], [sflag:s2] =	dma.local @!p0 [hbm:s0], s1  }
0x17f: {  	s0 =	simm.s32 @!p0 $0x5  }
0x180: {  	_ =	swait.ge @!p0 [sflag:s0], s1  }
0x181: {  	s1 =	ssub.s32 @!p0 $0x0, s1;
	[sflag:s0] =	ssyncset.done @!p0 $0x0  }
0x182: {  	[sflag:s0] =	ssyncadd.s32 @!p0 s1  }
0x183: {  	[bflag:$0x3] =	sbarrier.arrive $0xFFFF  }
0x184: {  	_ =	shalt  }

</sc_bundles>
